<compile_context>
chip_gen: v7x
topology: tpu7x:2x2x1
jax: 0.10.2.dev20260603
libtpu: 0.0.44.dev20260713+nightly
codegen_flags: <defaults>
</compile_context>

<pallas_src>
import functools

import jax
import jax.numpy as jnp
from jax.experimental import pallas as pl
from jax.experimental.pallas import tpu as pltpu

H = 12
TOPK = 2
CAPF = 1.25
INTERPRET = False

_GR = 8


def _bdot(a, b):
    return jnp.dot(a.astype(jnp.bfloat16), b.astype(jnp.bfloat16),
                   preferred_element_type=jnp.float32)


def _bdot_t(a, b):
    return jax.lax.dot_general(a.astype(jnp.bfloat16), b.astype(jnp.bfloat16),
                               (((1,), (1,)), ((), ())),
                               preferred_element_type=jnp.float32)


def _gather_body(idx_ref, *refs):
    out_ref = refs[_GR]
    for j in range(_GR):
        out_ref[j, :] = refs[j][0, 0, :]


def _gather_rows(table, idx):
    M = idx.shape[0]
    Dd = table.shape[1]
    table = table.reshape(table.shape[0], 1, Dd)
    in_specs = [
        pl.BlockSpec((1, 1, Dd),
                     functools.partial(lambda i, idx_ref, j: (idx_ref[i * _GR + j], 0, 0), j=j))
        for j in range(_GR)
    ]
    gs = pltpu.PrefetchScalarGridSpec(
        num_scalar_prefetch=1,
        grid=(M // _GR,),
        in_specs=in_specs,
        out_specs=pl.BlockSpec((_GR, Dd), lambda i, idx_ref: (i, 0)))
    return pl.pallas_call(
        _gather_body, grid_spec=gs,
        out_shape=jax.ShapeDtypeStruct((M, Dd), table.dtype),
        interpret=INTERPRET)(idx, *([table] * _GR))


def _ln(x, g, b):
    m = jnp.mean(x, axis=-1, keepdims=True)
    v = jnp.var(x, axis=-1, keepdims=True)
    return (x - m) / jnp.sqrt(v + 1e-5) * g + b


def _rwkv_mix_body(h_ref, hp_ref, mk_ref, mv_ref, mr_ref,
                   Wk_ref, Wv_ref, Wr_ref, ek_ref, ekv_ref, r_ref):
    i = pl.program_id(0)
    h = h_ref[...]
    prev = hp_ref[-1:, :]
    prev = jnp.where(i == 0, jnp.zeros_like(prev), prev)
    xx = jnp.concatenate([prev, h[:-1]], axis=0)
    mk = mk_ref[...]; mv = mv_ref[...]; mr = mr_ref[...]
    k = _bdot(h * mk + xx * (1 - mk), Wk_ref[...])
    v = _bdot(h * mv + xx * (1 - mv), Wv_ref[...])
    r_ref[...] = jax.nn.sigmoid(_bdot(h * mr + xx * (1 - mr), Wr_ref[...]))
    ek = jnp.exp(jnp.clip(k, -30.0, 8.0))
    ek_ref[...] = ek
    ekv_ref[...] = ek * v


def _rwkv_out_body(x_ref, cn_ref, cd_ref, r_ref, Wo_ref, out_ref):
    wkv = cn_ref[...] / (cd_ref[...] + 1e-8)
    out_ref[...] = x_ref[...] + _bdot(r_ref[...] * wkv, Wo_ref[...])


def _rwkv_call(x, p):
    Tn, Dd = x.shape
    CH = Tn
    NB = 1
    r1 = lambda a: a.reshape(1, -1)
    h = _ln(x, p['ln1_g'], p['ln1_b'])
    blk = pl.BlockSpec((CH, Dd), lambda i: (i, 0))
    vec = pl.BlockSpec((1, Dd), lambda i: (0, 0))
    wmat = pl.BlockSpec((Dd, Dd), lambda i: (0, 0))
    ek, ekv, r = pl.pallas_call(
        _rwkv_mix_body,
        grid=(NB,),
        in_specs=[blk, pl.BlockSpec((CH, Dd), lambda i: (jnp.maximum(i - 1, 0), 0)),
                  vec, vec, vec, wmat, wmat, wmat],
        out_specs=[blk, blk, blk],
        out_shape=[jax.ShapeDtypeStruct((Tn, Dd), jnp.float32)] * 3,
        interpret=INTERPRET)(h, h, r1(p['mix_k']), r1(p['mix_v']), r1(p['mix_r']),
                             p['Wk'], p['Wv'], p['Wr'])
    cn = jnp.cumsum(ekv, axis=0)
    cd = jnp.cumsum(ek, axis=0)
    return pl.pallas_call(
        _rwkv_out_body,
        grid=(NB,),
        in_specs=[blk, blk, blk, blk, wmat],
        out_specs=blk,
        out_shape=jax.ShapeDtypeStruct((Tn, Dd), jnp.float32),
        interpret=INTERPRET)(x, cn, cd, r, p['Wo'])


def _qkv_body(h_ref, Wq_ref, Wk_ref, Wv_ref, q_ref, k_ref, v_ref):
    h = h_ref[...]
    q_ref[...] = _bdot(h, Wq_ref[...])
    k_ref[...] = _bdot(h, Wk_ref[...])
    v_ref[...] = _bdot(h, Wv_ref[...])


def _scores_body(dh, QB, q_ref, k_ref, s_ref):
    qb = pl.program_id(0)
    Tn = k_ref.shape[0]
    npair = q_ref.shape[1] // dh
    ii = jax.lax.broadcasted_iota(jnp.int32, (QB, Tn), 0) + qb * QB
    jj = jax.lax.broadcasted_iota(jnp.int32, (QB, Tn), 1)
    causal = ii >= jj
    for t in range(npair):
        q = q_ref[:, t * dh:(t + 1) * dh]
        k = k_ref[:, t * dh:(t + 1) * dh]
        s = _bdot_t(q, k) / (dh ** 0.5)
        s_ref[t] = jnp.where(causal, s, -1e9)


def _av_body(dh, a_ref, v_ref, Wo_ref, x_ref, out_ref):
    hp = pl.program_id(1)
    npair = v_ref.shape[1] // dh
    proj = jnp.zeros_like(out_ref)
    for t in range(npair):
        a = a_ref[t]
        v = v_ref[:, t * dh:(t + 1) * dh]
        o = _bdot(a, v)
        proj = proj + _bdot(o, Wo_ref[t * dh:(t + 1) * dh, :])

    @pl.when(hp == 0)
    def _():
        out_ref[...] = x_ref[...] + proj

    @pl.when(hp != 0)
    def _():
        out_ref[...] = out_ref[...] + proj


def _attn_call(x, p):
    Tn, Dd = x.shape
    dh = Dd // H
    h = _ln(x, p['ln1_g'], p['ln1_b'])
    CH = min(256, Tn)
    q, k, v = pl.pallas_call(
        _qkv_body,
        grid=(Tn // CH,),
        in_specs=[pl.BlockSpec((CH, Dd), lambda i: (i, 0))]
                 + [pl.BlockSpec((Dd, Dd), lambda i: (0, 0))] * 3,
        out_specs=[pl.BlockSpec((CH, Dd), lambda i: (i, 0))] * 3,
        out_shape=[jax.ShapeDtypeStruct((Tn, Dd), jnp.float32)] * 3,
        interpret=INTERPRET)(h, p['Wq'], p['Wk'], p['Wv'])
    npair = max(1, 128 // dh)
    bw = dh * npair
    QB = min(512, Tn)
    s = pl.pallas_call(
        functools.partial(_scores_body, dh, QB),
        grid=(Tn // QB, H // npair),
        in_specs=[
            pl.BlockSpec((QB, bw), lambda qb, hp: (qb, hp)),
            pl.BlockSpec((Tn, bw), lambda qb, hp: (0, hp)),
        ],
        out_specs=pl.BlockSpec((npair, QB, Tn), lambda qb, hp: (hp, qb, 0)),
        out_shape=jax.ShapeDtypeStruct((H, Tn, Tn), jnp.float32),
        interpret=INTERPRET)(q, k)
    a = jax.nn.softmax(s, axis=-1)
    return pl.pallas_call(
        functools.partial(_av_body, dh),
        grid=(Tn // QB, H // npair),
        in_specs=[
            pl.BlockSpec((npair, QB, Tn), lambda qb, hp: (hp, qb, 0)),
            pl.BlockSpec((Tn, bw), lambda qb, hp: (0, hp)),
            pl.BlockSpec((bw, Dd), lambda qb, hp: (hp, 0)),
            pl.BlockSpec((QB, Dd), lambda qb, hp: (qb, 0)),
        ],
        out_specs=pl.BlockSpec((QB, Dd), lambda qb, hp: (qb, 0)),
        out_shape=jax.ShapeDtypeStruct((Tn, Dd), jnp.float32),
        interpret=INTERPRET)(a, v, p['Wo'], x)


def _logits_body(h_ref, Wg_ref, o_ref):
    o_ref[...] = _bdot(h_ref[...], Wg_ref[...])


def _route_b_body(probs_ref, invT_ref, qidx_ref, w_ref):
    Tn, En = probs_ref.shape
    cap = invT_ref.shape[0]
    probs = probs_ref[...]
    ids = jax.lax.broadcasted_iota(jnp.int32, (Tn, En), 1)
    g1 = jnp.max(probs, axis=-1, keepdims=True)
    i1 = jnp.min(jnp.where(probs == g1, ids, En), axis=-1, keepdims=True)
    probs2 = jnp.where(ids == i1, -1.0, probs)
    g2 = jnp.max(probs2, axis=-1, keepdims=True)
    i2 = jnp.min(jnp.where(probs2 == g2, ids, En), axis=-1, keepdims=True)
    ssum = g1 + g2 + 1e-9
    w1 = g1 / ssum
    w2 = g2 / ssum
    P = jnp.where(ids == i1, w1, 0.0) + jnp.where(ids == i2, w2, 0.0)

    ir = jax.lax.broadcasted_iota(jnp.int32, (Tn, Tn), 0)
    ic = jax.lax.broadcasted_iota(jnp.int32, (Tn, Tn), 1)
    ci = jax.lax.broadcasted_iota(jnp.int32, (cap, Tn), 0)
    tmat = jax.lax.broadcasted_iota(jnp.int32, (cap, Tn), 1)
    PT = jnp.transpose(P)
    rank_cols = []
    inv_cols = []
    for e in range(En):
        pcol = P[:, e:e + 1]
        prow = PT[e:e + 1, :]
        beats = (prow > pcol) | ((prow == pcol) & (ic < ir))
        bf = jnp.where(beats, 1.0, 0.0)
        rank = jnp.sum(bf, axis=1, keepdims=True)
        rank_cols.append(rank)
        rank_row = (Tn - 1.0) - jnp.sum(bf, axis=0, keepdims=True)
        eqm = rank_row.astype(jnp.int32) == ci
        inv_cols.append(jnp.sum(jnp.where(eqm, tmat, 0), axis=1, keepdims=True))
    R = jnp.concatenate(rank_cols, axis=1)
    invT_ref[...] = jnp.concatenate(inv_cols, axis=1)
    r1 = jnp.sum(jnp.where(ids == i1, R, 0.0), axis=-1, keepdims=True)
    r2 = jnp.sum(jnp.where(ids == i2, R, 0.0), axis=-1, keepdims=True)
    q1 = i1 * cap + jnp.minimum(r1, cap - 1.0).astype(jnp.int32)
    q2 = i2 * cap + jnp.minimum(r2, cap - 1.0).astype(jnp.int32)
    qidx_ref[...] = jnp.concatenate([q1, q2], axis=1)
    w_ref[...] = jnp.concatenate([jnp.where(r1 < cap, w1, 0.0),
                                  jnp.where(r2 < cap, w2, 0.0)], axis=1)


def _route_call(x, p, cap):
    Tn, Dd = x.shape
    En = p['Wg'].shape[1]
    CH = min(256, Tn)
    h2 = _ln(x, p['ln2_g'], p['ln2_b'])
    logits = pl.pallas_call(
        _logits_body,
        grid=(Tn // CH,),
        in_specs=[pl.BlockSpec((CH, Dd), lambda i: (i, 0)),
                  pl.BlockSpec((Dd, En), lambda i: (0, 0))],
        out_specs=pl.BlockSpec((CH, En), lambda i: (i, 0)),
        out_shape=jax.ShapeDtypeStruct((Tn, En), jnp.float32),
        interpret=INTERPRET)(h2, p['Wg'])
    probs = jax.nn.softmax(logits, axis=-1)
    invT, qidx, w = pl.pallas_call(
        _route_b_body,
        out_shape=[
            jax.ShapeDtypeStruct((cap, En), jnp.int32),
            jax.ShapeDtypeStruct((Tn, 2), jnp.int32),
            jax.ShapeDtypeStruct((Tn, 2), jnp.float32),
        ],
        interpret=INTERPRET)(probs)
    return h2, invT, qidx, w


def _ffn_body(xe_ref, W1_ref, b1_ref, W2_ref, b2_ref, y_ref):
    xe = xe_ref[0]
    h = jax.nn.gelu(_bdot(xe, W1_ref[0]) + b1_ref[0])
    y_ref[0] = _bdot(h, W2_ref[0]) + b2_ref[0]


def _ffn_call(xe, p):
    En, cap, Dd = xe.shape
    Fn = p['W1'].shape[2]
    RB = cap // 2
    return pl.pallas_call(
        _ffn_body,
        grid=(En, 2),
        in_specs=[
            pl.BlockSpec((1, RB, Dd), lambda e, rb: (e, rb, 0)),
            pl.BlockSpec((1, Dd, Fn), lambda e, rb: (e, 0, 0)),
            pl.BlockSpec((1, 1, Fn), lambda e, rb: (e, 0, 0)),
            pl.BlockSpec((1, Fn, Dd), lambda e, rb: (e, 0, 0)),
            pl.BlockSpec((1, 1, Dd), lambda e, rb: (e, 0, 0)),
        ],
        out_specs=pl.BlockSpec((1, RB, Dd), lambda e, rb: (e, rb, 0)),
        out_shape=jax.ShapeDtypeStruct((En, cap, Dd), jnp.float32),
        interpret=INTERPRET)(xe, p['W1'], p['b1'].reshape(En, 1, Fn), p['W2'],
                             p['b2'].reshape(En, 1, Dd))


def _combine_body(x_ref, ga_ref, gb_ref, w_ref, out_ref):
    w = w_ref[...]
    out_ref[...] = x_ref[...] + (ga_ref[...] * w[:, 0:1]
                                 + gb_ref[...] * w[:, 1:2])


def _combine_call(x, ga, gb, w):
    return pl.pallas_call(
        _combine_body,
        out_shape=jax.ShapeDtypeStruct(x.shape, jnp.float32),
        interpret=INTERPRET)(x, ga, gb, w)


def _lmhead_body(x_ref, emb_ref, out_ref):
    out_ref[...] = jax.lax.dot_general(
        x_ref[...], emb_ref[...], (((1,), (1,)), ((), ())),
        preferred_element_type=jnp.float32)


def _lmhead_call(x, emb):
    Tn, Dd = x.shape
    Vn = emb.shape[0]
    VB = 512
    nb = (Vn + VB - 1) // VB
    return pl.pallas_call(
        _lmhead_body,
        grid=(nb,),
        in_specs=[
            pl.BlockSpec((Tn, Dd), lambda j: (0, 0)),
            pl.BlockSpec((VB, Dd), lambda j: (j, 0)),
        ],
        out_specs=pl.BlockSpec((Tn, VB), lambda j: (0, j)),
        out_shape=jax.ShapeDtypeStruct((Tn, Vn), jnp.float32),
        interpret=INTERPRET)(x, emb)


def _forward_one(ids, emb, layer_params, ln_g, ln_b):
    Tn = ids.shape[0]
    x = _gather_rows(emb, ids)
    for p in layer_params:
        En = p['Wg'].shape[1]
        cap = int(Tn * TOPK * CAPF / En)
        if 'Wr' in p:
            x = _rwkv_call(x, p)
        else:
            x = _attn_call(x, p)
        h2, invT, qidx, w = _route_call(x, p, cap)
        xe = _gather_rows(h2, invT.T.reshape(-1))
        y = _ffn_call(xe.reshape(En, cap, -1), p)
        y2 = y.reshape(En * cap, -1)
        ga = _gather_rows(y2, qidx[:, 0])
        gb = _gather_rows(y2, qidx[:, 1])
        x = _combine_call(x, ga, gb, w)
    x = _ln(x, ln_g, ln_b)
    return _lmhead_call(x.astype(jnp.bfloat16), emb.astype(jnp.bfloat16))


def kernel(input_ids, emb, layer_params, ln_g, ln_b):
    outs = [_forward_one(input_ids[b], emb, layer_params, ln_g, ln_b)
            for b in range(input_ids.shape[0])]
    return jnp.stack(outs, axis=0)

# --- scband reference (transcript-rebuilt; emitter-appended) ---
"""Pipeline reference for scband-cdrmix-model-23605140259533 (READ-ONLY COPY).

The authoritative reference and input builder live on the scoring server;
editing this copy changes nothing except your own understanding.
"""

import jax, jax.numpy as jnp
import numpy as np

V = 50272; D = 768; NL = 4; H = 12; F = 1536; E = 8; TOPK = 2; CAPF = 1.25; B = 1; T = 2048
LAYER_TYPES = ['rwkv', 'rwkv', 'rwkv', 'transformer']


def _layer_norm(x, g, b):
    m = jnp.mean(x, axis=-1, keepdims=True)
    v = jnp.var(x, axis=-1, keepdims=True)
    return (x - m) / jnp.sqrt(v + 1e-5) * g + b


def _moe_ffn(x, p):
    Tn = x.shape[0]
    logits = x @ p['Wg']
    probs = jax.nn.softmax(logits, axis=-1)
    gv, gi = jax.lax.top_k(probs, TOPK)
    gv = gv / (jnp.sum(gv, axis=-1, keepdims=True) + 1e-9)
    gates = jnp.zeros((Tn, E), x.dtype).at[jnp.arange(Tn)[:, None], gi].add(gv)
    cap = int(Tn * TOPK * CAPF / E)
    prio = gates.T
    tok = jnp.argsort(-prio, axis=1)[:, :cap]
    sel = jnp.take_along_axis(prio, tok, axis=1)
    xe = x[tok]
    h = jax.nn.gelu(jnp.einsum('ecd,edf->ecf', xe, p['W1']) + p['b1'][:, None, :])
    y = jnp.einsum('ecf,efd->ecd', h, p['W2']) + p['b2'][:, None, :]
    y = y * sel[:, :, None]
    return jnp.zeros_like(x).at[tok.reshape(-1)].add(y.reshape(-1, x.shape[1]))


def _rwkv_mix(x, p):
    xx = jnp.concatenate([jnp.zeros_like(x[:1]), x[:-1]], axis=0)
    k = (x * p['mix_k'] + xx * (1 - p['mix_k'])) @ p['Wk']
    v = (x * p['mix_v'] + xx * (1 - p['mix_v'])) @ p['Wv']
    r = jax.nn.sigmoid((x * p['mix_r'] + xx * (1 - p['mix_r'])) @ p['Wr'])
    ek = jnp.exp(jnp.clip(k, -30.0, 8.0))
    wkv = jnp.cumsum(ek * v, axis=0) / (jnp.cumsum(ek, axis=0) + 1e-8)
    return (r * wkv) @ p['Wo']


def _attn(x, p):
    Tn = x.shape[0]; dh = D // H
    q = (x @ p['Wq']).reshape(Tn, H, dh)
    k = (x @ p['Wk']).reshape(Tn, H, dh)
    v = (x @ p['Wv']).reshape(Tn, H, dh)
    s = jnp.einsum('qhd,khd->hqk', q, k) / (dh ** 0.5)
    mask = jnp.tril(jnp.ones((Tn, Tn), dtype=bool))
    s = jnp.where(mask[None], s, -1e9)
    a = jax.nn.softmax(s, axis=-1)
    o = jnp.einsum('hqk,khd->qhd', a, v).reshape(Tn, D)
    return o @ p['Wo']


def _forward_seq(ids, emb, layers, ln_g, ln_b):
    x = emb[ids]
    for i in range(NL):
        p = layers[i]
        h = _layer_norm(x, p['ln1_g'], p['ln1_b'])
        if LAYER_TYPES[i] == 'rwkv':
            x = x + _rwkv_mix(h, p)
        else:
            x = x + _attn(h, p)
        h2 = _layer_norm(x, p['ln2_g'], p['ln2_b'])
        x = x + _moe_ffn(h2, p)
    x = _layer_norm(x, ln_g, ln_b)
    return x @ emb.T


def setup_inputs(seed: int = 0):
    key = jax.random.key(seed)
    ks = jax.random.split(key, 2 + NL)
    input_ids = jax.random.randint(ks[0], (B, T), 0, V)
    emb = jax.random.normal(ks[1], (V, D), dtype=jnp.float32) * 0.02
    layers = []
    for i in range(NL):
        lk = jax.random.split(ks[2 + i], 10)
        p = {'ln1_g': jnp.ones((D,), jnp.float32), 'ln1_b': jnp.zeros((D,), jnp.float32),
             'ln2_g': jnp.ones((D,), jnp.float32), 'ln2_b': jnp.zeros((D,), jnp.float32),
             'Wg': jax.random.normal(lk[0], (D, E)) * 0.02,
             'W1': jax.random.normal(lk[1], (E, D, F)) * 0.02,
             'b1': jnp.zeros((E, F), jnp.float32),
             'W2': jax.random.normal(lk[2], (E, F, D)) * 0.02,
             'b2': jnp.zeros((E, D), jnp.float32),
             'Wk': jax.random.normal(lk[3], (D, D)) * 0.02,
             'Wv': jax.random.normal(lk[4], (D, D)) * 0.02,
             'Wo': jax.random.normal(lk[5], (D, D)) * 0.02}
        if LAYER_TYPES[i] == 'rwkv':
            p['Wr'] = jax.random.normal(lk[6], (D, D)) * 0.02
            p['mix_k'] = jax.random.uniform(lk[7], (D,))
            p['mix_v'] = jax.random.uniform(lk[8], (D,))
            p['mix_r'] = jax.random.uniform(lk[9], (D,))
        else:
            p['Wq'] = jax.random.normal(lk[6], (D, D)) * 0.02
        layers.append(p)
    return {'input_ids': input_ids, 'emb': emb, 'layer_params': layers,
            'ln_g': jnp.ones((D,), jnp.float32), 'ln_b': jnp.zeros((D,), jnp.float32)}


def reference(input_ids, emb, layer_params, ln_g, ln_b):
    f = lambda ids: _forward_seq(ids, emb, layer_params, ln_g, ln_b)
    return jax.vmap(f)(input_ids)

if __name__ == "__main__":
    import jax
    _d = setup_inputs()
    print(jax.jit(kernel)(*tuple(_d.values())))

</pallas_src>

<mosaic_0001>
module attributes {stable_mosaic.version = 14 : i64} {
  func.func @_gather_body(%arg0: i32, %arg1: memref<2048xi32, #tpu.memory_space<smem>>, %arg2: memref<1x1x768xf32, #tpu.memory_space<vmem>>, %arg3: memref<1x1x768xf32, #tpu.memory_space<vmem>>, %arg4: memref<1x1x768xf32, #tpu.memory_space<vmem>>, %arg5: memref<1x1x768xf32, #tpu.memory_space<vmem>>, %arg6: memref<1x1x768xf32, #tpu.memory_space<vmem>>, %arg7: memref<1x1x768xf32, #tpu.memory_space<vmem>>, %arg8: memref<1x1x768xf32, #tpu.memory_space<vmem>>, %arg9: memref<1x1x768xf32, #tpu.memory_space<vmem>>, %arg10: memref<8x768xf32, #tpu.memory_space<vmem>>) attributes {dimension_semantics = [#tpu.dimension_semantics<arbitrary>], iteration_bounds = array<i64: 256>, scalar_prefetch = 1 : i64, scratch_operands = 0 : i64, tpu.core_type = #tpu.core_type<tc>, window_params = [{transform_indices = @transform_0, window_bounds = array<i64: 1, 1, 768>}, {transform_indices = @transform_1, window_bounds = array<i64: 1, 1, 768>}, {transform_indices = @transform_2, window_bounds = array<i64: 1, 1, 768>}, {transform_indices = @transform_3, window_bounds = array<i64: 1, 1, 768>}, {transform_indices = @transform_4, window_bounds = array<i64: 1, 1, 768>}, {transform_indices = @transform_5, window_bounds = array<i64: 1, 1, 768>}, {transform_indices = @transform_6, window_bounds = array<i64: 1, 1, 768>}, {transform_indices = @transform_7, window_bounds = array<i64: 1, 1, 768>}, {transform_indices = @transform_8, window_bounds = array<i64: 8, 768>}]} {
    %get3A = arith.constant 0 : index
    %get3A_0 = arith.constant 0 : index
    %get3A_1 = arith.constant 0 : index
    %get3A_2 = vector.load %arg2[%get3A, %get3A_0, %get3A_1] : memref<1x1x768xf32, #tpu.memory_space<vmem>>, vector<1x1x768xf32>
    %get3A_3 = vector.shape_cast %get3A_2 : vector<1x1x768xf32> to vector<768xf32>
    %swap3A = arith.constant 0 : index
    %swap3A_4 = arith.constant 0 : index
    %swap3A_5 = vector.load %arg10[%swap3A, %swap3A_4] : memref<8x768xf32, #tpu.memory_space<vmem>>, vector<1x768xf32>
    %swap3A_6 = vector.shape_cast %swap3A_5 : vector<1x768xf32> to vector<768xf32>
    %swap3A_7 = vector.shape_cast %get3A_3 : vector<768xf32> to vector<1x768xf32>
    tpu.vector_store %arg10[%swap3A, %swap3A_4], %swap3A_7 {strides = array<i32>} : memref<8x768xf32, #tpu.memory_space<vmem>>, vector<1x768xf32>,
    %get3A_8 = arith.constant 0 : index
    %get3A_9 = arith.constant 0 : index
    %get3A_10 = arith.constant 0 : index
    %get3A_11 = vector.load %arg3[%get3A_8, %get3A_9, %get3A_10] : memref<1x1x768xf32, #tpu.memory_space<vmem>>, vector<1x1x768xf32>
    %get3A_12 = vector.shape_cast %get3A_11 : vector<1x1x768xf32> to vector<768xf32>
    %swap3A_13 = arith.constant 1 : index
    %swap3A_14 = arith.constant 0 : index
    %swap3A_15 = vector.load %arg10[%swap3A_13, %swap3A_14] : memref<8x768xf32, #tpu.memory_space<vmem>>, vector<1x768xf32>
    %swap3A_16 = vector.shape_cast %swap3A_15 : vector<1x768xf32> to vector<768xf32>
    %swap3A_17 = vector.shape_cast %get3A_12 : vector<768xf32> to vector<1x768xf32>
    tpu.vector_store %arg10[%swap3A_13, %swap3A_14], %swap3A_17 {strides = array<i32>} : memref<8x768xf32, #tpu.memory_space<vmem>>, vector<1x768xf32>,
    %get3A_18 = arith.constant 0 : index
    %get3A_19 = arith.constant 0 : index
    %get3A_20 = arith.constant 0 : index
    %get3A_21 = vector.load %arg4[%get3A_18, %get3A_19, %get3A_20] : memref<1x1x768xf32, #tpu.memory_space<vmem>>, vector<1x1x768xf32>
    %get3A_22 = vector.shape_cast %get3A_21 : vector<1x1x768xf32> to vector<768xf32>
    %swap3A_23 = arith.constant 2 : index
    %swap3A_24 = arith.constant 0 : index
    %swap3A_25 = vector.load %arg10[%swap3A_23, %swap3A_24] : memref<8x768xf32, #tpu.memory_space<vmem>>, vector<1x768xf32>
    %swap3A_26 = vector.shape_cast %swap3A_25 : vector<1x768xf32> to vector<768xf32>
    %swap3A_27 = vector.shape_cast %get3A_22 : vector<768xf32> to vector<1x768xf32>
    tpu.vector_store %arg10[%swap3A_23, %swap3A_24], %swap3A_27 {strides = array<i32>} : memref<8x768xf32, #tpu.memory_space<vmem>>, vector<1x768xf32>,
    %get3A_28 = arith.constant 0 : index
    %get3A_29 = arith.constant 0 : index
    %get3A_30 = arith.constant 0 : index
    %get3A_31 = vector.load %arg5[%get3A_28, %get3A_29, %get3A_30] : memref<1x1x768xf32, #tpu.memory_space<vmem>>, vector<1x1x768xf32>
    %get3A_32 = vector.shape_cast %get3A_31 : vector<1x1x768xf32> to vector<768xf32>
    %swap3A_33 = arith.constant 3 : index
    %swap3A_34 = arith.constant 0 : index
    %swap3A_35 = vector.load %arg10[%swap3A_33, %swap3A_34] : memref<8x768xf32, #tpu.memory_space<vmem>>, vector<1x768xf32>
    %swap3A_36 = vector.shape_cast %swap3A_35 : vector<1x768xf32> to vector<768xf32>
    %swap3A_37 = vector.shape_cast %get3A_32 : vector<768xf32> to vector<1x768xf32>
    tpu.vector_store %arg10[%swap3A_33, %swap3A_34], %swap3A_37 {strides = array<i32>} : memref<8x768xf32, #tpu.memory_space<vmem>>, vector<1x768xf32>,
    %get3A_38 = arith.constant 0 : index
    %get3A_39 = arith.constant 0 : index
    %get3A_40 = arith.constant 0 : index
    %get3A_41 = vector.load %arg6[%get3A_38, %get3A_39, %get3A_40] : memref<1x1x768xf32, #tpu.memory_space<vmem>>, vector<1x1x768xf32>
    %get3A_42 = vector.shape_cast %get3A_41 : vector<1x1x768xf32> to vector<768xf32>
    %swap3A_43 = arith.constant 4 : index
    %swap3A_44 = arith.constant 0 : index
    %swap3A_45 = vector.load %arg10[%swap3A_43, %swap3A_44] : memref<8x768xf32, #tpu.memory_space<vmem>>, vector<1x768xf32>
    %swap3A_46 = vector.shape_cast %swap3A_45 : vector<1x768xf32> to vector<768xf32>
    %swap3A_47 = vector.shape_cast %get3A_42 : vector<768xf32> to vector<1x768xf32>
    tpu.vector_store %arg10[%swap3A_43, %swap3A_44], %swap3A_47 {strides = array<i32>} : memref<8x768xf32, #tpu.memory_space<vmem>>, vector<1x768xf32>,
    %get3A_48 = arith.constant 0 : index
    %get3A_49 = arith.constant 0 : index
    %get3A_50 = arith.constant 0 : index
    %get3A_51 = vector.load %arg7[%get3A_48, %get3A_49, %get3A_50] : memref<1x1x768xf32, #tpu.memory_space<vmem>>, vector<1x1x768xf32>
    %get3A_52 = vector.shape_cast %get3A_51 : vector<1x1x768xf32> to vector<768xf32>
    %swap3A_53 = arith.constant 5 : index
    %swap3A_54 = arith.constant 0 : index
    %swap3A_55 = vector.load %arg10[%swap3A_53, %swap3A_54] : memref<8x768xf32, #tpu.memory_space<vmem>>, vector<1x768xf32>
    %swap3A_56 = vector.shape_cast %swap3A_55 : vector<1x768xf32> to vector<768xf32>
    %swap3A_57 = vector.shape_cast %get3A_52 : vector<768xf32> to vector<1x768xf32>
    tpu.vector_store %arg10[%swap3A_53, %swap3A_54], %swap3A_57 {strides = array<i32>} : memref<8x768xf32, #tpu.memory_space<vmem>>, vector<1x768xf32>,
    %get3A_58 = arith.constant 0 : index
    %get3A_59 = arith.constant 0 : index
    %get3A_60 = arith.constant 0 : index
    %get3A_61 = vector.load %arg8[%get3A_58, %get3A_59, %get3A_60] : memref<1x1x768xf32, #tpu.memory_space<vmem>>, vector<1x1x768xf32>
    %get3A_62 = vector.shape_cast %get3A_61 : vector<1x1x768xf32> to vector<768xf32>
    %swap3A_63 = arith.constant 6 : index
    %swap3A_64 = arith.constant 0 : index
    %swap3A_65 = vector.load %arg10[%swap3A_63, %swap3A_64] : memref<8x768xf32, #tpu.memory_space<vmem>>, vector<1x768xf32>
    %swap3A_66 = vector.shape_cast %swap3A_65 : vector<1x768xf32> to vector<768xf32>
    %swap3A_67 = vector.shape_cast %get3A_62 : vector<768xf32> to vector<1x768xf32>
    tpu.vector_store %arg10[%swap3A_63, %swap3A_64], %swap3A_67 {strides = array<i32>} : memref<8x768xf32, #tpu.memory_space<vmem>>, vector<1x768xf32>,
    %get3A_68 = arith.constant 0 : index
    %get3A_69 = arith.constant 0 : index
    %get3A_70 = arith.constant 0 : index
    %get3A_71 = vector.load %arg9[%get3A_68, %get3A_69, %get3A_70] : memref<1x1x768xf32, #tpu.memory_space<vmem>>, vector<1x1x768xf32>
    %get3A_72 = vector.shape_cast %get3A_71 : vector<1x1x768xf32> to vector<768xf32>
    %swap3A_73 = arith.constant 7 : index
    %swap3A_74 = arith.constant 0 : index
    %swap3A_75 = vector.load %arg10[%swap3A_73, %swap3A_74] : memref<8x768xf32, #tpu.memory_space<vmem>>, vector<1x768xf32>
    %swap3A_76 = vector.shape_cast %swap3A_75 : vector<1x768xf32> to vector<768xf32>
    %swap3A_77 = vector.shape_cast %get3A_72 : vector<768xf32> to vector<1x768xf32>
    tpu.vector_store %arg10[%swap3A_73, %swap3A_74], %swap3A_77 {strides = array<i32>} : memref<8x768xf32, #tpu.memory_space<vmem>>, vector<1x768xf32>,
    return
  }
  func.func @transform_0(%arg0: i32, %arg1: memref<2048xi32, #tpu.memory_space<smem>>) -> (i32, i32, i32) {
    %mul3A = arith.constant 8 : i32
    %mul3A_0 = arith.muli %arg0, %mul3A : i32
    %add3A = arith.constant 0 : i32
    %add3A_1 = arith.addi %mul3A_0, %add3A : i32
    %get3A = arith.index_cast %add3A_1 : i32 to index
    %get3A_2 = memref.load %arg1[%get3A] : memref<2048xi32, #tpu.memory_space<smem>>
    %c0_i32 = arith.constant 0 : i32
    %c0_i32_3 = arith.constant 0 : i32
    %c0_i32_4 = arith.constant 0 : i32
    return %get3A_2, %c0_i32, %c0_i32_3 : i32, i32, i32
  }
  func.func @transform_1(%arg0: i32, %arg1: memref<2048xi32, #tpu.memory_space<smem>>) -> (i32, i32, i32) {
    %mul3A = arith.constant 8 : i32
    %mul3A_0 = arith.muli %arg0, %mul3A : i32
    %add3A = arith.constant 1 : i32
    %add3A_1 = arith.addi %mul3A_0, %add3A : i32
    %get3A = arith.index_cast %add3A_1 : i32 to index
    %get3A_2 = memref.load %arg1[%get3A] : memref<2048xi32, #tpu.memory_space<smem>>
    %c0_i32 = arith.constant 0 : i32
    %c0_i32_3 = arith.constant 0 : i32
    %c0_i32_4 = arith.constant 0 : i32
    return %get3A_2, %c0_i32, %c0_i32_3 : i32, i32, i32
  }
  func.func @transform_2(%arg0: i32, %arg1: memref<2048xi32, #tpu.memory_space<smem>>) -> (i32, i32, i32) {
    %mul3A = arith.constant 8 : i32
    %mul3A_0 = arith.muli %arg0, %mul3A : i32
    %add3A = arith.constant 2 : i32
    %add3A_1 = arith.addi %mul3A_0, %add3A : i32
    %get3A = arith.index_cast %add3A_1 : i32 to index
    %get3A_2 = memref.load %arg1[%get3A] : memref<2048xi32, #tpu.memory_space<smem>>
    %c0_i32 = arith.constant 0 : i32
    %c0_i32_3 = arith.constant 0 : i32
    %c0_i32_4 = arith.constant 0 : i32
    return %get3A_2, %c0_i32, %c0_i32_3 : i32, i32, i32
  }
  func.func @transform_3(%arg0: i32, %arg1: memref<2048xi32, #tpu.memory_space<smem>>) -> (i32, i32, i32) {
    %mul3A = arith.constant 8 : i32
    %mul3A_0 = arith.muli %arg0, %mul3A : i32
    %add3A = arith.constant 3 : i32
    %add3A_1 = arith.addi %mul3A_0, %add3A : i32
    %get3A = arith.index_cast %add3A_1 : i32 to index
    %get3A_2 = memref.load %arg1[%get3A] : memref<2048xi32, #tpu.memory_space<smem>>
    %c0_i32 = arith.constant 0 : i32
    %c0_i32_3 = arith.constant 0 : i32
    %c0_i32_4 = arith.constant 0 : i32
    return %get3A_2, %c0_i32, %c0_i32_3 : i32, i32, i32
  }
  func.func @transform_4(%arg0: i32, %arg1: memref<2048xi32, #tpu.memory_space<smem>>) -> (i32, i32, i32) {
    %mul3A = arith.constant 8 : i32
    %mul3A_0 = arith.muli %arg0, %mul3A : i32
    %add3A = arith.constant 4 : i32
    %add3A_1 = arith.addi %mul3A_0, %add3A : i32
    %get3A = arith.index_cast %add3A_1 : i32 to index
    %get3A_2 = memref.load %arg1[%get3A] : memref<2048xi32, #tpu.memory_space<smem>>
    %c0_i32 = arith.constant 0 : i32
    %c0_i32_3 = arith.constant 0 : i32
    %c0_i32_4 = arith.constant 0 : i32
    return %get3A_2, %c0_i32, %c0_i32_3 : i32, i32, i32
  }
  func.func @transform_5(%arg0: i32, %arg1: memref<2048xi32, #tpu.memory_space<smem>>) -> (i32, i32, i32) {
    %mul3A = arith.constant 8 : i32
    %mul3A_0 = arith.muli %arg0, %mul3A : i32
    %add3A = arith.constant 5 : i32
    %add3A_1 = arith.addi %mul3A_0, %add3A : i32
    %get3A = arith.index_cast %add3A_1 : i32 to index
    %get3A_2 = memref.load %arg1[%get3A] : memref<2048xi32, #tpu.memory_space<smem>>
    %c0_i32 = arith.constant 0 : i32
    %c0_i32_3 = arith.constant 0 : i32
    %c0_i32_4 = arith.constant 0 : i32
    return %get3A_2, %c0_i32, %c0_i32_3 : i32, i32, i32
  }
  func.func @transform_6(%arg0: i32, %arg1: memref<2048xi32, #tpu.memory_space<smem>>) -> (i32, i32, i32) {
    %mul3A = arith.constant 8 : i32
    %mul3A_0 = arith.muli %arg0, %mul3A : i32
    %add3A = arith.constant 6 : i32
    %add3A_1 = arith.addi %mul3A_0, %add3A : i32
    %get3A = arith.index_cast %add3A_1 : i32 to index
    %get3A_2 = memref.load %arg1[%get3A] : memref<2048xi32, #tpu.memory_space<smem>>
    %c0_i32 = arith.constant 0 : i32
    %c0_i32_3 = arith.constant 0 : i32
    %c0_i32_4 = arith.constant 0 : i32
    return %get3A_2, %c0_i32, %c0_i32_3 : i32, i32, i32
  }
  func.func @transform_7(%arg0: i32, %arg1: memref<2048xi32, #tpu.memory_space<smem>>) -> (i32, i32, i32) {
    %mul3A = arith.constant 8 : i32
    %mul3A_0 = arith.muli %arg0, %mul3A : i32
    %add3A = arith.constant 7 : i32
    %add3A_1 = arith.addi %mul3A_0, %add3A : i32
    %get3A = arith.index_cast %add3A_1 : i32 to index
    %get3A_2 = memref.load %arg1[%get3A] : memref<2048xi32, #tpu.memory_space<smem>>
    %c0_i32 = arith.constant 0 : i32
    %c0_i32_3 = arith.constant 0 : i32
    %c0_i32_4 = arith.constant 0 : i32
    return %get3A_2, %c0_i32, %c0_i32_3 : i32, i32, i32
  }
  func.func @transform_8(%arg0: i32, %arg1: memref<2048xi32, #tpu.memory_space<smem>>) -> (i32, i32) {
    %c0_i32 = arith.constant 0 : i32
    %c0_i32_0 = arith.constant 0 : i32
    return %arg0, %c0_i32 : i32, i32
  }
}

module attributes {stable_mosaic.version = 14 : i64} {
  func.func @_rwkv_mix_body(%arg0: i32, %arg1: memref<2048x768xf32, #tpu.memory_space<vmem>>, %arg2: memref<2048x768xf32, #tpu.memory_space<vmem>>, %arg3: memref<1x768xf32, #tpu.memory_space<vmem>>, %arg4: memref<1x768xf32, #tpu.memory_space<vmem>>, %arg5: memref<1x768xf32, #tpu.memory_space<vmem>>, %arg6: memref<768x768xf32, #tpu.memory_space<vmem>>, %arg7: memref<768x768xf32, #tpu.memory_space<vmem>>, %arg8: memref<768x768xf32, #tpu.memory_space<vmem>>, %arg9: memref<2048x768xf32, #tpu.memory_space<vmem>>, %arg10: memref<2048x768xf32, #tpu.memory_space<vmem>>, %arg11: memref<2048x768xf32, #tpu.memory_space<vmem>>) attributes {dimension_semantics = [#tpu.dimension_semantics<arbitrary>], iteration_bounds = array<i64: 1>, scalar_prefetch = 0 : i64, scratch_operands = 0 : i64, tpu.core_type = #tpu.core_type<tc>, window_params = [{transform_indices = @transform_0, window_bounds = array<i64: 2048, 768>}, {transform_indices = @transform_1, window_bounds = array<i64: 2048, 768>}, {pipeline_mode = #tpu.pipeline_mode<synchronous>, transform_indices = @transform_2, window_bounds = array<i64: 1, 768>}, {pipeline_mode = #tpu.pipeline_mode<synchronous>, transform_indices = @transform_3, window_bounds = array<i64: 1, 768>}, {pipeline_mode = #tpu.pipeline_mode<synchronous>, transform_indices = @transform_4, window_bounds = array<i64: 1, 768>}, {pipeline_mode = #tpu.pipeline_mode<synchronous>, transform_indices = @transform_5, window_bounds = array<i64: 768, 768>}, {pipeline_mode = #tpu.pipeline_mode<synchronous>, transform_indices = @transform_6, window_bounds = array<i64: 768, 768>}, {pipeline_mode = #tpu.pipeline_mode<synchronous>, transform_indices = @transform_7, window_bounds = array<i64: 768, 768>}, {transform_indices = @transform_8, window_bounds = array<i64: 2048, 768>}, {transform_indices = @transform_9, window_bounds = array<i64: 2048, 768>}, {transform_indices = @transform_10, window_bounds = array<i64: 2048, 768>}]} {
    %get3A = arith.constant 0 : index
    %get3A_0 = arith.constant 0 : index
    %get3A_1 = vector.load %arg1[%get3A, %get3A_0] : memref<2048x768xf32, #tpu.memory_space<vmem>>, vector<2048x768xf32>
    %get3A_2 = arith.constant 2047 : index
    %get3A_3 = arith.constant 0 : index
    %get3A_4 = vector.load %arg2[%get3A_2, %get3A_3] : memref<2048x768xf32, #tpu.memory_space<vmem>>, vector<1x768xf32>
    %eq3A = arith.constant 0 : i32
    %eq3A_5 = arith.cmpi eq, %arg0, %eq3A : i32
    %broadcast_in_dim3A = arith.constant 0.000000e+00 : f32
    %broadcast_in_dim3A_6 = vector.broadcast %broadcast_in_dim3A : f32 to vector<1x768xf32>
    %select_n3A = arith.select %eq3A_5, %broadcast_in_dim3A_6, %get3A_4 : vector<1x768xf32>
    %slice3A = vector.extract_strided_slice %get3A_1 {offsets = [0, 0], sizes = [2047, 768], strides = [1, 1]} : vector<2048x768xf32> to vector<2047x768xf32>
    %concatenate3A = tpu.concatenate %select_n3A, %slice3A in 0 : vector<1x768xf32>, vector<2047x768xf32> -> vector<2048x768xf32>
    %get3A_7 = arith.constant 0 : index
    %get3A_8 = arith.constant 0 : index
    %get3A_9 = vector.load %arg3[%get3A_7, %get3A_8] : memref<1x768xf32, #tpu.memory_space<vmem>>, vector<1x768xf32>
    %get3A_10 = arith.constant 0 : index
    %get3A_11 = arith.constant 0 : index
    %get3A_12 = vector.load %arg4[%get3A_10, %get3A_11] : memref<1x768xf32, #tpu.memory_space<vmem>>, vector<1x768xf32>
    %get3A_13 = arith.constant 0 : index
    %get3A_14 = arith.constant 0 : index
    %get3A_15 = vector.load %arg5[%get3A_13, %get3A_14] : memref<1x768xf32, #tpu.memory_space<vmem>>, vector<1x768xf32>
    %mul3A = vector.broadcast %get3A_9 : vector<1x768xf32> to vector<2048x768xf32>
    %mul3A_16 = arith.mulf %get3A_1, %mul3A : vector<2048x768xf32>
    %sub3A = arith.constant 1.000000e+00 : f32
    %sub3A_17 = vector.broadcast %sub3A : f32 to vector<1x768xf32>
    %sub3A_18 = arith.subf %sub3A_17, %get3A_9 : vector<1x768xf32>
    %mul3A_19 = vector.broadcast %sub3A_18 : vector<1x768xf32> to vector<2048x768xf32>
    %mul3A_20 = arith.mulf %concatenate3A, %mul3A_19 : vector<2048x768xf32>
    %add3A = arith.addf %mul3A_16, %mul3A_20 : vector<2048x768xf32>
    %get3A_21 = arith.constant 0 : index
    %get3A_22 = arith.constant 0 : index
    %get3A_23 = vector.load %arg6[%get3A_21, %get3A_22] : memref<768x768xf32, #tpu.memory_space<vmem>>, vector<768x768xf32>
    %convert_element_type3A = arith.truncf %add3A : vector<2048x768xf32> to vector<2048x768xbf16>
    %convert_element_type3A_24 = arith.truncf %get3A_23 : vector<768x768xf32> to vector<768x768xbf16>
    %dot_general3A = arith.constant dense<0.000000e+00> : vector<2048x768xf32>
    %dot_general3A_25 = tpu.matmul %convert_element_type3A, %convert_element_type3A_24, %dot_general3A {dimension_numbers = #tpu.dot_dimension_numbers<[1], [0], [0], [1], [0, 0, 1, 1], [], []>, transpose_lhs_hint = false} : vector<2048x768xbf16>, vector<768x768xbf16>, vector<2048x768xf32> -> vector<2048x768xf32>
    %mul3A_26 = vector.broadcast %get3A_12 : vector<1x768xf32> to vector<2048x768xf32>
    %mul3A_27 = arith.mulf %get3A_1, %mul3A_26 : vector<2048x768xf32>
    %sub3A_28 = arith.constant 1.000000e+00 : f32
    %sub3A_29 = vector.broadcast %sub3A_28 : f32 to vector<1x768xf32>
    %sub3A_30 = arith.subf %sub3A_29, %get3A_12 : vector<1x768xf32>
    %mul3A_31 = vector.broadcast %sub3A_30 : vector<1x768xf32> to vector<2048x768xf32>
    %mul3A_32 = arith.mulf %concatenate3A, %mul3A_31 : vector<2048x768xf32>
    %add3A_33 = arith.addf %mul3A_27, %mul3A_32 : vector<2048x768xf32>
    %get3A_34 = arith.constant 0 : index
    %get3A_35 = arith.constant 0 : index
    %get3A_36 = vector.load %arg7[%get3A_34, %get3A_35] : memref<768x768xf32, #tpu.memory_space<vmem>>, vector<768x768xf32>
    %convert_element_type3A_37 = arith.truncf %add3A_33 : vector<2048x768xf32> to vector<2048x768xbf16>
    %convert_element_type3A_38 = arith.truncf %get3A_36 : vector<768x768xf32> to vector<768x768xbf16>
    %dot_general3A_39 = arith.constant dense<0.000000e+00> : vector<2048x768xf32>
    %dot_general3A_40 = tpu.matmul %convert_element_type3A_37, %convert_element_type3A_38, %dot_general3A_39 {dimension_numbers = #tpu.dot_dimension_numbers<[1], [0], [0], [1], [0, 0, 1, 1], [], []>, transpose_lhs_hint = false} : vector<2048x768xbf16>, vector<768x768xbf16>, vector<2048x768xf32> -> vector<2048x768xf32>
    %mul3A_41 = vector.broadcast %get3A_15 : vector<1x768xf32> to vector<2048x768xf32>
    %mul3A_42 = arith.mulf %get3A_1, %mul3A_41 : vector<2048x768xf32>
    %sub3A_43 = arith.constant 1.000000e+00 : f32
    %sub3A_44 = vector.broadcast %sub3A_43 : f32 to vector<1x768xf32>
    %sub3A_45 = arith.subf %sub3A_44, %get3A_15 : vector<1x768xf32>
    %mul3A_46 = vector.broadcast %sub3A_45 : vector<1x768xf32> to vector<2048x768xf32>
    %mul3A_47 = arith.mulf %concatenate3A, %mul3A_46 : vector<2048x768xf32>
    %add3A_48 = arith.addf %mul3A_42, %mul3A_47 : vector<2048x768xf32>
    %get3A_49 = arith.constant 0 : index
    %get3A_50 = arith.constant 0 : index
    %get3A_51 = vector.load %arg8[%get3A_49, %get3A_50] : memref<768x768xf32, #tpu.memory_space<vmem>>, vector<768x768xf32>
    %convert_element_type3A_52 = arith.truncf %add3A_48 : vector<2048x768xf32> to vector<2048x768xbf16>
    %convert_element_type3A_53 = arith.truncf %get3A_51 : vector<768x768xf32> to vector<768x768xbf16>
    %dot_general3A_54 = arith.constant dense<0.000000e+00> : vector<2048x768xf32>
    %dot_general3A_55 = tpu.matmul %convert_element_type3A_52, %convert_element_type3A_53, %dot_general3A_54 {dimension_numbers = #tpu.dot_dimension_numbers<[1], [0], [0], [1], [0, 0, 1, 1], [], []>, transpose_lhs_hint = false} : vector<2048x768xbf16>, vector<768x768xbf16>, vector<2048x768xf32> -> vector<2048x768xf32>
    %logistic3A = arith.negf %dot_general3A_55 : vector<2048x768xf32>
    %logistic3A_56 = math.exp %logistic3A : vector<2048x768xf32>
    %logistic3A_57 = arith.constant 1.000000e+00 : f32
    %logistic3A_58 = vector.broadcast %logistic3A_57 : f32 to vector<2048x768xf32>
    %logistic3A_59 = arith.addf %logistic3A_58, %logistic3A_56 : vector<2048x768xf32>
    %logistic3A_60 = arith.divf %logistic3A_58, %logistic3A_59 : vector<2048x768xf32>
    %swap3A = arith.constant 0 : index
    %swap3A_61 = arith.constant 0 : index
    %swap3A_62 = vector.load %arg11[%swap3A, %swap3A_61] : memref<2048x768xf32, #tpu.memory_space<vmem>>, vector<2048x768xf32>
    tpu.vector_store %arg11[%swap3A, %swap3A_61], %logistic3A_60 {strides = array<i32>} : memref<2048x768xf32, #tpu.memory_space<vmem>>, vector<2048x768xf32>,
    %jit3A = arith.constant -3.000000e+01 : f32
    %jit3A_63 = arith.constant 8.000000e+00 : f32
    %max3A = vector.broadcast %jit3A : f32 to vector<2048x768xf32>
    %max3A_64 = arith.maximumf %max3A, %dot_general3A_25 : vector<2048x768xf32>
    %min3A = vector.broadcast %jit3A_63 : f32 to vector<2048x768xf32>
    %min3A_65 = arith.minimumf %min3A, %max3A_64 : vector<2048x768xf32>
    %exp3A = math.exp %min3A_65 : vector<2048x768xf32>
    %swap3A_66 = arith.constant 0 : index
    %swap3A_67 = arith.constant 0 : index
    %swap3A_68 = vector.load %arg9[%swap3A_66, %swap3A_67] : memref<2048x768xf32, #tpu.memory_space<vmem>>, vector<2048x768xf32>
    tpu.vector_store %arg9[%swap3A_66, %swap3A_67], %exp3A {strides = array<i32>} : memref<2048x768xf32, #tpu.memory_space<vmem>>, vector<2048x768xf32>,
    %mul3A_69 = arith.mulf %exp3A, %dot_general3A_40 : vector<2048x768xf32>
    %swap3A_70 = arith.constant 0 : index
    %swap3A_71 = arith.constant 0 : index
    %swap3A_72 = vector.load %arg10[%swap3A_70, %swap3A_71] : memref<2048x768xf32, #tpu.memory_space<vmem>>, vector<2048x768xf32>
    tpu.vector_store %arg10[%swap3A_70, %swap3A_71], %mul3A_69 {strides = array<i32>} : memref<2048x768xf32, #tpu.memory_space<vmem>>, vector<2048x768xf32>,
    return
  }
  func.func @transform_0(%arg0: i32) -> (i32, i32) {
    %c0_i32 = arith.constant 0 : i32
    %c0_i32_0 = arith.constant 0 : i32
    return %arg0, %c0_i32 : i32, i32
  }
  func.func @transform_1(%arg0: i32) -> (i32, i32) {
    %sub3A = arith.constant 1 : i32
    %sub3A_0 = arith.subi %arg0, %sub3A : i32
    %max3A = arith.constant 0 : i32
    %max3A_1 = arith.maxsi %sub3A_0, %max3A : i32
    %c0_i32 = arith.constant 0 : i32
    %c0_i32_2 = arith.constant 0 : i32
    return %max3A_1, %c0_i32 : i32, i32
  }
  func.func @transform_2(%arg0: i32) -> (i32, i32) {
    %c0_i32 = arith.constant 0 : i32
    %c0_i32_0 = arith.constant 0 : i32
    %c0_i32_1 = arith.constant 0 : i32
    return %c0_i32, %c0_i32_0 : i32, i32
  }
  func.func @transform_3(%arg0: i32) -> (i32, i32) {
    %c0_i32 = arith.constant 0 : i32
    %c0_i32_0 = arith.constant 0 : i32
    %c0_i32_1 = arith.constant 0 : i32
    return %c0_i32, %c0_i32_0 : i32, i32
  }
  func.func @transform_4(%arg0: i32) -> (i32, i32) {
    %c0_i32 = arith.constant 0 : i32
    %c0_i32_0 = arith.constant 0 : i32
    %c0_i32_1 = arith.constant 0 : i32
    return %c0_i32, %c0_i32_0 : i32, i32
  }
  func.func @transform_5(%arg0: i32) -> (i32, i32) {
    %c0_i32 = arith.constant 0 : i32
    %c0_i32_0 = arith.constant 0 : i32
    %c0_i32_1 = arith.constant 0 : i32
    return %c0_i32, %c0_i32_0 : i32, i32
  }
  func.func @transform_6(%arg0: i32) -> (i32, i32) {
    %c0_i32 = arith.constant 0 : i32
    %c0_i32_0 = arith.constant 0 : i32
    %c0_i32_1 = arith.constant 0 : i32
    return %c0_i32, %c0_i32_0 : i32, i32
  }
  func.func @transform_7(%arg0: i32) -> (i32, i32) {
    %c0_i32 = arith.constant 0 : i32
    %c0_i32_0 = arith.constant 0 : i32
    %c0_i32_1 = arith.constant 0 : i32
    return %c0_i32, %c0_i32_0 : i32, i32
  }
  func.func @transform_8(%arg0: i32) -> (i32, i32) {
    %c0_i32 = arith.constant 0 : i32
    %c0_i32_0 = arith.constant 0 : i32
    return %arg0, %c0_i32 : i32, i32
  }
  func.func @transform_9(%arg0: i32) -> (i32, i32) {
    %c0_i32 = arith.constant 0 : i32
    %c0_i32_0 = arith.constant 0 : i32
    return %arg0, %c0_i32 : i32, i32
  }
  func.func @transform_10(%arg0: i32) -> (i32, i32) {
    %c0_i32 = arith.constant 0 : i32
    %c0_i32_0 = arith.constant 0 : i32
    return %arg0, %c0_i32 : i32, i32
  }
}

module attributes {stable_mosaic.version = 14 : i64} {
  func.func @_rwkv_out_body(%arg0: i32, %arg1: memref<2048x768xf32, #tpu.memory_space<vmem>>, %arg2: memref<2048x768xf32, #tpu.memory_space<vmem>>, %arg3: memref<2048x768xf32, #tpu.memory_space<vmem>>, %arg4: memref<2048x768xf32, #tpu.memory_space<vmem>>, %arg5: memref<768x768xf32, #tpu.memory_space<vmem>>, %arg6: memref<2048x768xf32, #tpu.memory_space<vmem>>) attributes {dimension_semantics = [#tpu.dimension_semantics<arbitrary>], iteration_bounds = array<i64: 1>, scalar_prefetch = 0 : i64, scratch_operands = 0 : i64, tpu.core_type = #tpu.core_type<tc>, window_params = [{transform_indices = @transform_0, window_bounds = array<i64: 2048, 768>}, {transform_indices = @transform_1, window_bounds = array<i64: 2048, 768>}, {transform_indices = @transform_2, window_bounds = array<i64: 2048, 768>}, {transform_indices = @transform_3, window_bounds = array<i64: 2048, 768>}, {pipeline_mode = #tpu.pipeline_mode<synchronous>, transform_indices = @transform_4, window_bounds = array<i64: 768, 768>}, {transform_indices = @transform_5, window_bounds = array<i64: 2048, 768>}]} {
    %get3A = arith.constant 0 : index
    %get3A_0 = arith.constant 0 : index
    %get3A_1 = vector.load %arg2[%get3A, %get3A_0] : memref<2048x768xf32, #tpu.memory_space<vmem>>, vector<2048x768xf32>
    %get3A_2 = arith.constant 0 : index
    %get3A_3 = arith.constant 0 : index
    %get3A_4 = vector.load %arg3[%get3A_2, %get3A_3] : memref<2048x768xf32, #tpu.memory_space<vmem>>, vector<2048x768xf32>
    %add3A = arith.constant 9.99999993E-9 : f32
    %add3A_5 = vector.broadcast %add3A : f32 to vector<2048x768xf32>
    %add3A_6 = arith.addf %get3A_4, %add3A_5 : vector<2048x768xf32>
    %div3A = arith.divf %get3A_1, %add3A_6 : vector<2048x768xf32>
    %get3A_7 = arith.constant 0 : index
    %get3A_8 = arith.constant 0 : index
    %get3A_9 = vector.load %arg1[%get3A_7, %get3A_8] : memref<2048x768xf32, #tpu.memory_space<vmem>>, vector<2048x768xf32>
    %get3A_10 = arith.constant 0 : index
    %get3A_11 = arith.constant 0 : index
    %get3A_12 = vector.load %arg4[%get3A_10, %get3A_11] : memref<2048x768xf32, #tpu.memory_space<vmem>>, vector<2048x768xf32>
    %mul3A = arith.mulf %get3A_12, %div3A : vector<2048x768xf32>
    %get3A_13 = arith.constant 0 : index
    %get3A_14 = arith.constant 0 : index
    %get3A_15 = vector.load %arg5[%get3A_13, %get3A_14] : memref<768x768xf32, #tpu.memory_space<vmem>>, vector<768x768xf32>
    %convert_element_type3A = arith.truncf %mul3A : vector<2048x768xf32> to vector<2048x768xbf16>
    %convert_element_type3A_16 = arith.truncf %get3A_15 : vector<768x768xf32> to vector<768x768xbf16>
    %dot_general3A = arith.constant dense<0.000000e+00> : vector<2048x768xf32>
    %dot_general3A_17 = tpu.matmul %convert_element_type3A, %convert_element_type3A_16, %dot_general3A {dimension_numbers = #tpu.dot_dimension_numbers<[1], [0], [0], [1], [0, 0, 1, 1], [], []>, transpose_lhs_hint = false} : vector<2048x768xbf16>, vector<768x768xbf16>, vector<2048x768xf32> -> vector<2048x768xf32>
    %add3A_18 = arith.addf %get3A_9, %dot_general3A_17 : vector<2048x768xf32>
    %swap3A = arith.constant 0 : index
    %swap3A_19 = arith.constant 0 : index
    %swap3A_20 = vector.load %arg6[%swap3A, %swap3A_19] : memref<2048x768xf32, #tpu.memory_space<vmem>>, vector<2048x768xf32>
    tpu.vector_store %arg6[%swap3A, %swap3A_19], %add3A_18 {strides = array<i32>} : memref<2048x768xf32, #tpu.memory_space<vmem>>, vector<2048x768xf32>,
    return
  }
  func.func @transform_0(%arg0: i32) -> (i32, i32) {
    %c0_i32 = arith.constant 0 : i32
    %c0_i32_0 = arith.constant 0 : i32
    return %arg0, %c0_i32 : i32, i32
  }
  func.func @transform_1(%arg0: i32) -> (i32, i32) {
    %c0_i32 = arith.constant 0 : i32
    %c0_i32_0 = arith.constant 0 : i32
    return %arg0, %c0_i32 : i32, i32
  }
  func.func @transform_2(%arg0: i32) -> (i32, i32) {
    %c0_i32 = arith.constant 0 : i32
    %c0_i32_0 = arith.constant 0 : i32
    return %arg0, %c0_i32 : i32, i32
  }
  func.func @transform_3(%arg0: i32) -> (i32, i32) {
    %c0_i32 = arith.constant 0 : i32
    %c0_i32_0 = arith.constant 0 : i32
    return %arg0, %c0_i32 : i32, i32
  }
  func.func @transform_4(%arg0: i32) -> (i32, i32) {
    %c0_i32 = arith.constant 0 : i32
    %c0_i32_0 = arith.constant 0 : i32
    %c0_i32_1 = arith.constant 0 : i32
    return %c0_i32, %c0_i32_0 : i32, i32
  }
  func.func @transform_5(%arg0: i32) -> (i32, i32) {
    %c0_i32 = arith.constant 0 : i32
    %c0_i32_0 = arith.constant 0 : i32
    return %arg0, %c0_i32 : i32, i32
  }
}

module attributes {stable_mosaic.version = 14 : i64} {
  func.func @_logits_body(%arg0: i32, %arg1: memref<256x768xf32, #tpu.memory_space<vmem>>, %arg2: memref<768x8xf32, #tpu.memory_space<vmem>>, %arg3: memref<256x8xf32, #tpu.memory_space<vmem>>) attributes {dimension_semantics = [#tpu.dimension_semantics<arbitrary>], iteration_bounds = array<i64: 8>, scalar_prefetch = 0 : i64, scratch_operands = 0 : i64, tpu.core_type = #tpu.core_type<tc>, window_params = [{transform_indices = @transform_0, window_bounds = array<i64: 256, 768>}, {pipeline_mode = #tpu.pipeline_mode<synchronous>, transform_indices = @transform_1, window_bounds = array<i64: 768, 8>}, {transform_indices = @transform_2, window_bounds = array<i64: 256, 8>}]} {
    %get3A = arith.constant 0 : index
    %get3A_0 = arith.constant 0 : index
    %get3A_1 = vector.load %arg1[%get3A, %get3A_0] : memref<256x768xf32, #tpu.memory_space<vmem>>, vector<256x768xf32>
    %get3A_2 = arith.constant 0 : index
    %get3A_3 = arith.constant 0 : index
    %get3A_4 = vector.load %arg2[%get3A_2, %get3A_3] : memref<768x8xf32, #tpu.memory_space<vmem>>, vector<768x8xf32>
    %convert_element_type3A = arith.truncf %get3A_1 : vector<256x768xf32> to vector<256x768xbf16>
    %convert_element_type3A_5 = arith.truncf %get3A_4 : vector<768x8xf32> to vector<768x8xbf16>
    %dot_general3A = arith.constant dense<0.000000e+00> : vector<256x8xf32>
    %dot_general3A_6 = tpu.matmul %convert_element_type3A, %convert_element_type3A_5, %dot_general3A {dimension_numbers = #tpu.dot_dimension_numbers<[1], [0], [0], [1], [0, 0, 1, 1], [], []>, transpose_lhs_hint = false} : vector<256x768xbf16>, vector<768x8xbf16>, vector<256x8xf32> -> vector<256x8xf32>
    %swap3A = arith.constant 0 : index
    %swap3A_7 = arith.constant 0 : index
    %swap3A_8 = vector.load %arg3[%swap3A, %swap3A_7] : memref<256x8xf32, #tpu.memory_space<vmem>>, vector<256x8xf32>
    tpu.vector_store %arg3[%swap3A, %swap3A_7], %dot_general3A_6 {strides = array<i32>} : memref<256x8xf32, #tpu.memory_space<vmem>>, vector<256x8xf32>,
    return
  }
  func.func @transform_0(%arg0: i32) -> (i32, i32) {
    %c0_i32 = arith.constant 0 : i32
    %c0_i32_0 = arith.constant 0 : i32
    return %arg0, %c0_i32 : i32, i32
  }
  func.func @transform_1(%arg0: i32) -> (i32, i32) {
    %c0_i32 = arith.constant 0 : i32
    %c0_i32_0 = arith.constant 0 : i32
    %c0_i32_1 = arith.constant 0 : i32
    return %c0_i32, %c0_i32_0 : i32, i32
  }
  func.func @transform_2(%arg0: i32) -> (i32, i32) {
    %c0_i32 = arith.constant 0 : i32
    %c0_i32_0 = arith.constant 0 : i32
    return %arg0, %c0_i32 : i32, i32
  }
}

module attributes {stable_mosaic.version = 14 : i64} {
  func.func @_route_b_body(%arg0: memref<2048x8xf32, #tpu.memory_space<vmem>>, %arg1: memref<640x8xi32, #tpu.memory_space<vmem>>, %arg2: memref<2048x2xi32, #tpu.memory_space<vmem>>, %arg3: memref<2048x2xf32, #tpu.memory_space<vmem>>) attributes {dimension_semantics = [], scalar_prefetch = 0 : i64, scratch_operands = 0 : i64, tpu.core_type = #tpu.core_type<tc>} {
    %get3A = arith.constant 0 : index
    %get3A_0 = arith.constant 0 : index
    %get3A_1 = vector.load %arg0[%get3A, %get3A_0] : memref<2048x8xf32, #tpu.memory_space<vmem>>, vector<2048x8xf32>
    %iota3A = tpu.iota {dimensions = array<i32: 1>} : vector<2048x8xi32>
    %reduce_max3A = arith.constant dense<0xFF800000> : vector<2048xf32>
    %reduce_max3A_2 = vector.multi_reduction <maximumf>, %get3A_1, %reduce_max3A [1] : vector<2048x8xf32> to vector<2048xf32>
    %broadcast_in_dim3A = vector.shape_cast %reduce_max3A_2 : vector<2048xf32> to vector<2048x1xf32>
    %eq3A = vector.broadcast %broadcast_in_dim3A : vector<2048x1xf32> to vector<2048x8xf32>
    %eq3A_3 = arith.cmpf oeq, %get3A_1, %eq3A : vector<2048x8xf32>
    %jit3A = arith.constant 8 : i32
    %broadcast_in_dim3A_4 = vector.broadcast %jit3A : i32 to vector<2048x8xi32>
    %select_n3A = arith.select %eq3A_3, %iota3A, %broadcast_in_dim3A_4 : vector<2048x8xi1>, vector<2048x8xi32>
    %reduce_min3A = arith.constant dense<2147483647> : vector<2048xi32>
    %reduce_min3A_5 = vector.multi_reduction <minsi>, %select_n3A, %reduce_min3A [1] : vector<2048x8xi32> to vector<2048xi32>
    %broadcast_in_dim3A_6 = vector.shape_cast %reduce_min3A_5 : vector<2048xi32> to vector<2048x1xi32>
    %eq3A_7 = vector.broadcast %broadcast_in_dim3A_6 : vector<2048x1xi32> to vector<2048x8xi32>
    %eq3A_8 = arith.cmpi eq, %iota3A, %eq3A_7 : vector<2048x8xi32>
    %jit3A_9 = arith.constant -1.000000e+00 : f32
    %broadcast_in_dim3A_10 = vector.broadcast %jit3A_9 : f32 to vector<2048x8xf32>
    %select_n3A_11 = arith.select %eq3A_8, %broadcast_in_dim3A_10, %get3A_1 : vector<2048x8xi1>, vector<2048x8xf32>
    %reduce_max3A_12 = arith.constant dense<0xFF800000> : vector<2048xf32>
    %reduce_max3A_13 = vector.multi_reduction <maximumf>, %select_n3A_11, %reduce_max3A_12 [1] : vector<2048x8xf32> to vector<2048xf32>
    %broadcast_in_dim3A_14 = vector.shape_cast %reduce_max3A_13 : vector<2048xf32> to vector<2048x1xf32>
    %eq3A_15 = vector.broadcast %broadcast_in_dim3A_14 : vector<2048x1xf32> to vector<2048x8xf32>
    %eq3A_16 = arith.cmpf oeq, %select_n3A_11, %eq3A_15 : vector<2048x8xf32>
    %jit3A_17 = arith.constant 8 : i32
    %broadcast_in_dim3A_18 = vector.broadcast %jit3A_17 : i32 to vector<2048x8xi32>
    %select_n3A_19 = arith.select %eq3A_16, %iota3A, %broadcast_in_dim3A_18 : vector<2048x8xi1>, vector<2048x8xi32>
    %reduce_min3A_20 = arith.constant dense<2147483647> : vector<2048xi32>
    %reduce_min3A_21 = vector.multi_reduction <minsi>, %select_n3A_19, %reduce_min3A_20 [1] : vector<2048x8xi32> to vector<2048xi32>
    %broadcast_in_dim3A_22 = vector.shape_cast %reduce_min3A_21 : vector<2048xi32> to vector<2048x1xi32>
    %add3A = arith.addf %broadcast_in_dim3A, %broadcast_in_dim3A_14 : vector<2048x1xf32>
    %add3A_23 = arith.constant 9.99999971E-10 : f32
    %add3A_24 = vector.broadcast %add3A_23 : f32 to vector<2048x1xf32>
    %add3A_25 = arith.addf %add3A, %add3A_24 : vector<2048x1xf32>
    %div3A = arith.divf %broadcast_in_dim3A, %add3A_25 : vector<2048x1xf32>
    %div3A_26 = arith.divf %broadcast_in_dim3A_14, %add3A_25 : vector<2048x1xf32>
    %eq3A_27 = vector.broadcast %broadcast_in_dim3A_6 : vector<2048x1xi32> to vector<2048x8xi32>
    %eq3A_28 = arith.cmpi eq, %iota3A, %eq3A_27 : vector<2048x8xi32>
    %jit3A_29 = arith.constant 0.000000e+00 : f32
    %broadcast_in_dim3A_30 = vector.shape_cast %div3A : vector<2048x1xf32> to vector<2048x1xf32>
    %broadcast_in_dim3A_31 = vector.broadcast %broadcast_in_dim3A_30 : vector<2048x1xf32> to vector<2048x8xf32>
    %broadcast_in_dim3A_32 = vector.broadcast %jit3A_29 : f32 to vector<2048x8xf32>
    %select_n3A_33 = arith.select %eq3A_28, %broadcast_in_dim3A_31, %broadcast_in_dim3A_32 : vector<2048x8xi1>, vector<2048x8xf32>
    %eq3A_34 = vector.broadcast %broadcast_in_dim3A_22 : vector<2048x1xi32> to vector<2048x8xi32>
    %eq3A_35 = arith.cmpi eq, %iota3A, %eq3A_34 : vector<2048x8xi32>
    %jit3A_36 = arith.constant 0.000000e+00 : f32
    %broadcast_in_dim3A_37 = vector.shape_cast %div3A_26 : vector<2048x1xf32> to vector<2048x1xf32>
    %broadcast_in_dim3A_38 = vector.broadcast %broadcast_in_dim3A_37 : vector<2048x1xf32> to vector<2048x8xf32>
    %broadcast_in_dim3A_39 = vector.broadcast %jit3A_36 : f32 to vector<2048x8xf32>
    %select_n3A_40 = arith.select %eq3A_35, %broadcast_in_dim3A_38, %broadcast_in_dim3A_39 : vector<2048x8xi1>, vector<2048x8xf32>
    %add3A_41 = arith.addf %select_n3A_33, %select_n3A_40 : vector<2048x8xf32>
    %iota3A_42 = tpu.iota {dimensions = array<i32: 0>} : vector<2048x2048xi32>
    %iota3A_43 = tpu.iota {dimensions = array<i32: 1>} : vector<2048x2048xi32>
    %iota3A_44 = tpu.iota {dimensions = array<i32: 0>} : vector<640x2048xi32>
    %iota3A_45 = tpu.iota {dimensions = array<i32: 1>} : vector<640x2048xi32>
    %transpose3A = tpu.transpose %add3A_41, [1, 0] : vector<2048x8xf32> -> vector<8x2048xf32>
    %slice3A = vector.extract_strided_slice %add3A_41 {offsets = [0, 0], sizes = [2048, 1], strides = [1, 1]} : vector<2048x8xf32> to vector<2048x1xf32>
    %slice3A_46 = vector.extract_strided_slice %transpose3A {offsets = [0, 0], sizes = [1, 2048], strides = [1, 1]} : vector<8x2048xf32> to vector<1x2048xf32>
    %gt3A = vector.broadcast %slice3A_46 : vector<1x2048xf32> to vector<2048x2048xf32>
    %gt3A_47 = vector.broadcast %slice3A : vector<2048x1xf32> to vector<2048x2048xf32>
    %gt3A_48 = arith.cmpf ogt, %gt3A, %gt3A_47 : vector<2048x2048xf32>
    %eq3A_49 = vector.broadcast %slice3A_46 : vector<1x2048xf32> to vector<2048x2048xf32>
    %eq3A_50 = vector.broadcast %slice3A : vector<2048x1xf32> to vector<2048x2048xf32>
    %eq3A_51 = arith.cmpf oeq, %eq3A_49, %eq3A_50 : vector<2048x2048xf32>
    %lt3A = arith.cmpi slt, %iota3A_43, %iota3A_42 : vector<2048x2048xi32>
    %and3A = arith.andi %eq3A_51, %lt3A : vector<2048x2048xi1>
    %or3A = arith.ori %gt3A_48, %and3A : vector<2048x2048xi1>
    %jit3A_52 = arith.constant 1.000000e+00 : f32
    %jit3A_53 = arith.constant 0.000000e+00 : f32
    %broadcast_in_dim3A_54 = vector.broadcast %jit3A_52 : f32 to vector<2048x2048xf32>
    %broadcast_in_dim3A_55 = vector.broadcast %jit3A_53 : f32 to vector<2048x2048xf32>
    %select_n3A_56 = arith.select %or3A, %broadcast_in_dim3A_54, %broadcast_in_dim3A_55 : vector<2048x2048xi1>, vector<2048x2048xf32>
    %reduce_sum3A = arith.constant dense<0.000000e+00> : vector<2048xf32>
    %reduce_sum3A_57 = vector.multi_reduction <add>, %select_n3A_56, %reduce_sum3A [1] : vector<2048x2048xf32> to vector<2048xf32>
    %broadcast_in_dim3A_58 = vector.shape_cast %reduce_sum3A_57 : vector<2048xf32> to vector<2048x1xf32>
    %reduce_sum3A_59 = arith.constant dense<0.000000e+00> : vector<2048xf32>
    %reduce_sum3A_60 = vector.multi_reduction <add>, %select_n3A_56, %reduce_sum3A_59 [0] : vector<2048x2048xf32> to vector<2048xf32>
    %broadcast_in_dim3A_61 = vector.shape_cast %reduce_sum3A_60 : vector<2048xf32> to vector<1x2048xf32>
    %sub3A = arith.constant 2.047000e+03 : f32
    %sub3A_62 = vector.broadcast %sub3A : f32 to vector<1x2048xf32>
    %sub3A_63 = arith.subf %sub3A_62, %broadcast_in_dim3A_61 : vector<1x2048xf32>
    %convert_element_type3A = arith.fptosi %sub3A_63 : vector<1x2048xf32> to vector<1x2048xi32>
    %eq3A_64 = vector.broadcast %convert_element_type3A : vector<1x2048xi32> to vector<640x2048xi32>
    %eq3A_65 = arith.cmpi eq, %eq3A_64, %iota3A_44 : vector<640x2048xi32>
    %jit3A_66 = arith.constant 0 : i32
    %broadcast_in_dim3A_67 = vector.broadcast %jit3A_66 : i32 to vector<640x2048xi32>
    %select_n3A_68 = arith.select %eq3A_65, %iota3A_45, %broadcast_in_dim3A_67 : vector<640x2048xi1>, vector<640x2048xi32>
    %reduce_sum3A_69 = arith.constant dense<0> : vector<640xi32>
    %reduce_sum3A_70 = vector.multi_reduction <add>, %select_n3A_68, %reduce_sum3A_69 [1] : vector<640x2048xi32> to vector<640xi32>
    %broadcast_in_dim3A_71 = vector.shape_cast %reduce_sum3A_70 : vector<640xi32> to vector<640x1xi32>
    %slice3A_72 = vector.extract_strided_slice %add3A_41 {offsets = [0, 1], sizes = [2048, 1], strides = [1, 1]} : vector<2048x8xf32> to vector<2048x1xf32>
    %slice3A_73 = vector.extract_strided_slice %transpose3A {offsets = [1, 0], sizes = [1, 2048], strides = [1, 1]} : vector<8x2048xf32> to vector<1x2048xf32>
    %gt3A_74 = vector.broadcast %slice3A_73 : vector<1x2048xf32> to vector<2048x2048xf32>
    %gt3A_75 = vector.broadcast %slice3A_72 : vector<2048x1xf32> to vector<2048x2048xf32>
    %gt3A_76 = arith.cmpf ogt, %gt3A_74, %gt3A_75 : vector<2048x2048xf32>
    %eq3A_77 = vector.broadcast %slice3A_73 : vector<1x2048xf32> to vector<2048x2048xf32>
    %eq3A_78 = vector.broadcast %slice3A_72 : vector<2048x1xf32> to vector<2048x2048xf32>
    %eq3A_79 = arith.cmpf oeq, %eq3A_77, %eq3A_78 : vector<2048x2048xf32>
    %lt3A_80 = arith.cmpi slt, %iota3A_43, %iota3A_42 : vector<2048x2048xi32>
    %and3A_81 = arith.andi %eq3A_79, %lt3A_80 : vector<2048x2048xi1>
    %or3A_82 = arith.ori %gt3A_76, %and3A_81 : vector<2048x2048xi1>
    %jit3A_83 = arith.constant 1.000000e+00 : f32
    %jit3A_84 = arith.constant 0.000000e+00 : f32
    %broadcast_in_dim3A_85 = vector.broadcast %jit3A_83 : f32 to vector<2048x2048xf32>
    %broadcast_in_dim3A_86 = vector.broadcast %jit3A_84 : f32 to vector<2048x2048xf32>
    %select_n3A_87 = arith.select %or3A_82, %broadcast_in_dim3A_85, %broadcast_in_dim3A_86 : vector<2048x2048xi1>, vector<2048x2048xf32>
    %reduce_sum3A_88 = arith.constant dense<0.000000e+00> : vector<2048xf32>
    %reduce_sum3A_89 = vector.multi_reduction <add>, %select_n3A_87, %reduce_sum3A_88 [1] : vector<2048x2048xf32> to vector<2048xf32>
    %broadcast_in_dim3A_90 = vector.shape_cast %reduce_sum3A_89 : vector<2048xf32> to vector<2048x1xf32>
    %reduce_sum3A_91 = arith.constant dense<0.000000e+00> : vector<2048xf32>
    %reduce_sum3A_92 = vector.multi_reduction <add>, %select_n3A_87, %reduce_sum3A_91 [0] : vector<2048x2048xf32> to vector<2048xf32>
    %broadcast_in_dim3A_93 = vector.shape_cast %reduce_sum3A_92 : vector<2048xf32> to vector<1x2048xf32>
    %sub3A_94 = arith.constant 2.047000e+03 : f32
    %sub3A_95 = vector.broadcast %sub3A_94 : f32 to vector<1x2048xf32>
    %sub3A_96 = arith.subf %sub3A_95, %broadcast_in_dim3A_93 : vector<1x2048xf32>
    %convert_element_type3A_97 = arith.fptosi %sub3A_96 : vector<1x2048xf32> to vector<1x2048xi32>
    %eq3A_98 = vector.broadcast %convert_element_type3A_97 : vector<1x2048xi32> to vector<640x2048xi32>
    %eq3A_99 = arith.cmpi eq, %eq3A_98, %iota3A_44 : vector<640x2048xi32>
    %jit3A_100 = arith.constant 0 : i32
    %broadcast_in_dim3A_101 = vector.broadcast %jit3A_100 : i32 to vector<640x2048xi32>
    %select_n3A_102 = arith.select %eq3A_99, %iota3A_45, %broadcast_in_dim3A_101 : vector<640x2048xi1>, vector<640x2048xi32>
    %reduce_sum3A_103 = arith.constant dense<0> : vector<640xi32>
    %reduce_sum3A_104 = vector.multi_reduction <add>, %select_n3A_102, %reduce_sum3A_103 [1] : vector<640x2048xi32> to vector<640xi32>
    %broadcast_in_dim3A_105 = vector.shape_cast %reduce_sum3A_104 : vector<640xi32> to vector<640x1xi32>
    %slice3A_106 = vector.extract_strided_slice %add3A_41 {offsets = [0, 2], sizes = [2048, 1], strides = [1, 1]} : vector<2048x8xf32> to vector<2048x1xf32>
    %slice3A_107 = vector.extract_strided_slice %transpose3A {offsets = [2, 0], sizes = [1, 2048], strides = [1, 1]} : vector<8x2048xf32> to vector<1x2048xf32>
    %gt3A_108 = vector.broadcast %slice3A_107 : vector<1x2048xf32> to vector<2048x2048xf32>
    %gt3A_109 = vector.broadcast %slice3A_106 : vector<2048x1xf32> to vector<2048x2048xf32>
    %gt3A_110 = arith.cmpf ogt, %gt3A_108, %gt3A_109 : vector<2048x2048xf32>
    %eq3A_111 = vector.broadcast %slice3A_107 : vector<1x2048xf32> to vector<2048x2048xf32>
    %eq3A_112 = vector.broadcast %slice3A_106 : vector<2048x1xf32> to vector<2048x2048xf32>
    %eq3A_113 = arith.cmpf oeq, %eq3A_111, %eq3A_112 : vector<2048x2048xf32>
    %lt3A_114 = arith.cmpi slt, %iota3A_43, %iota3A_42 : vector<2048x2048xi32>
    %and3A_115 = arith.andi %eq3A_113, %lt3A_114 : vector<2048x2048xi1>
    %or3A_116 = arith.ori %gt3A_110, %and3A_115 : vector<2048x2048xi1>
    %jit3A_117 = arith.constant 1.000000e+00 : f32
    %jit3A_118 = arith.constant 0.000000e+00 : f32
    %broadcast_in_dim3A_119 = vector.broadcast %jit3A_117 : f32 to vector<2048x2048xf32>
    %broadcast_in_dim3A_120 = vector.broadcast %jit3A_118 : f32 to vector<2048x2048xf32>
    %select_n3A_121 = arith.select %or3A_116, %broadcast_in_dim3A_119, %broadcast_in_dim3A_120 : vector<2048x2048xi1>, vector<2048x2048xf32>
    %reduce_sum3A_122 = arith.constant dense<0.000000e+00> : vector<2048xf32>
    %reduce_sum3A_123 = vector.multi_reduction <add>, %select_n3A_121, %reduce_sum3A_122 [1] : vector<2048x2048xf32> to vector<2048xf32>
    %broadcast_in_dim3A_124 = vector.shape_cast %reduce_sum3A_123 : vector<2048xf32> to vector<2048x1xf32>
    %reduce_sum3A_125 = arith.constant dense<0.000000e+00> : vector<2048xf32>
    %reduce_sum3A_126 = vector.multi_reduction <add>, %select_n3A_121, %reduce_sum3A_125 [0] : vector<2048x2048xf32> to vector<2048xf32>
    %broadcast_in_dim3A_127 = vector.shape_cast %reduce_sum3A_126 : vector<2048xf32> to vector<1x2048xf32>
    %sub3A_128 = arith.constant 2.047000e+03 : f32
    %sub3A_129 = vector.broadcast %sub3A_128 : f32 to vector<1x2048xf32>
    %sub3A_130 = arith.subf %sub3A_129, %broadcast_in_dim3A_127 : vector<1x2048xf32>
    %convert_element_type3A_131 = arith.fptosi %sub3A_130 : vector<1x2048xf32> to vector<1x2048xi32>
    %eq3A_132 = vector.broadcast %convert_element_type3A_131 : vector<1x2048xi32> to vector<640x2048xi32>
    %eq3A_133 = arith.cmpi eq, %eq3A_132, %iota3A_44 : vector<640x2048xi32>
    %jit3A_134 = arith.constant 0 : i32
    %broadcast_in_dim3A_135 = vector.broadcast %jit3A_134 : i32 to vector<640x2048xi32>
    %select_n3A_136 = arith.select %eq3A_133, %iota3A_45, %broadcast_in_dim3A_135 : vector<640x2048xi1>, vector<640x2048xi32>
    %reduce_sum3A_137 = arith.constant dense<0> : vector<640xi32>
    %reduce_sum3A_138 = vector.multi_reduction <add>, %select_n3A_136, %reduce_sum3A_137 [1] : vector<640x2048xi32> to vector<640xi32>
    %broadcast_in_dim3A_139 = vector.shape_cast %reduce_sum3A_138 : vector<640xi32> to vector<640x1xi32>
    %slice3A_140 = vector.extract_strided_slice %add3A_41 {offsets = [0, 3], sizes = [2048, 1], strides = [1, 1]} : vector<2048x8xf32> to vector<2048x1xf32>
    %slice3A_141 = vector.extract_strided_slice %transpose3A {offsets = [3, 0], sizes = [1, 2048], strides = [1, 1]} : vector<8x2048xf32> to vector<1x2048xf32>
    %gt3A_142 = vector.broadcast %slice3A_141 : vector<1x2048xf32> to vector<2048x2048xf32>
    %gt3A_143 = vector.broadcast %slice3A_140 : vector<2048x1xf32> to vector<2048x2048xf32>
    %gt3A_144 = arith.cmpf ogt, %gt3A_142, %gt3A_143 : vector<2048x2048xf32>
    %eq3A_145 = vector.broadcast %slice3A_141 : vector<1x2048xf32> to vector<2048x2048xf32>
    %eq3A_146 = vector.broadcast %slice3A_140 : vector<2048x1xf32> to vector<2048x2048xf32>
    %eq3A_147 = arith.cmpf oeq, %eq3A_145, %eq3A_146 : vector<2048x2048xf32>
    %lt3A_148 = arith.cmpi slt, %iota3A_43, %iota3A_42 : vector<2048x2048xi32>
    %and3A_149 = arith.andi %eq3A_147, %lt3A_148 : vector<2048x2048xi1>
    %or3A_150 = arith.ori %gt3A_144, %and3A_149 : vector<2048x2048xi1>
    %jit3A_151 = arith.constant 1.000000e+00 : f32
    %jit3A_152 = arith.constant 0.000000e+00 : f32
    %broadcast_in_dim3A_153 = vector.broadcast %jit3A_151 : f32 to vector<2048x2048xf32>
    %broadcast_in_dim3A_154 = vector.broadcast %jit3A_152 : f32 to vector<2048x2048xf32>
    %select_n3A_155 = arith.select %or3A_150, %broadcast_in_dim3A_153, %broadcast_in_dim3A_154 : vector<2048x2048xi1>, vector<2048x2048xf32>
    %reduce_sum3A_156 = arith.constant dense<0.000000e+00> : vector<2048xf32>
    %reduce_sum3A_157 = vector.multi_reduction <add>, %select_n3A_155, %reduce_sum3A_156 [1] : vector<2048x2048xf32> to vector<2048xf32>
    %broadcast_in_dim3A_158 = vector.shape_cast %reduce_sum3A_157 : vector<2048xf32> to vector<2048x1xf32>
    %reduce_sum3A_159 = arith.constant dense<0.000000e+00> : vector<2048xf32>
    %reduce_sum3A_160 = vector.multi_reduction <add>, %select_n3A_155, %reduce_sum3A_159 [0] : vector<2048x2048xf32> to vector<2048xf32>
    %broadcast_in_dim3A_161 = vector.shape_cast %reduce_sum3A_160 : vector<2048xf32> to vector<1x2048xf32>
    %sub3A_162 = arith.constant 2.047000e+03 : f32
    %sub3A_163 = vector.broadcast %sub3A_162 : f32 to vector<1x2048xf32>
    %sub3A_164 = arith.subf %sub3A_163, %broadcast_in_dim3A_161 : vector<1x2048xf32>
    %convert_element_type3A_165 = arith.fptosi %sub3A_164 : vector<1x2048xf32> to vector<1x2048xi32>
    %eq3A_166 = vector.broadcast %convert_element_type3A_165 : vector<1x2048xi32> to vector<640x2048xi32>
    %eq3A_167 = arith.cmpi eq, %eq3A_166, %iota3A_44 : vector<640x2048xi32>
    %jit3A_168 = arith.constant 0 : i32
    %broadcast_in_dim3A_169 = vector.broadcast %jit3A_168 : i32 to vector<640x2048xi32>
    %select_n3A_170 = arith.select %eq3A_167, %iota3A_45, %broadcast_in_dim3A_169 : vector<640x2048xi1>, vector<640x2048xi32>
    %reduce_sum3A_171 = arith.constant dense<0> : vector<640xi32>
    %reduce_sum3A_172 = vector.multi_reduction <add>, %select_n3A_170, %reduce_sum3A_171 [1] : vector<640x2048xi32> to vector<640xi32>
    %broadcast_in_dim3A_173 = vector.shape_cast %reduce_sum3A_172 : vector<640xi32> to vector<640x1xi32>
    %slice3A_174 = vector.extract_strided_slice %add3A_41 {offsets = [0, 4], sizes = [2048, 1], strides = [1, 1]} : vector<2048x8xf32> to vector<2048x1xf32>
    %slice3A_175 = vector.extract_strided_slice %transpose3A {offsets = [4, 0], sizes = [1, 2048], strides = [1, 1]} : vector<8x2048xf32> to vector<1x2048xf32>
    %gt3A_176 = vector.broadcast %slice3A_175 : vector<1x2048xf32> to vector<2048x2048xf32>
    %gt3A_177 = vector.broadcast %slice3A_174 : vector<2048x1xf32> to vector<2048x2048xf32>
    %gt3A_178 = arith.cmpf ogt, %gt3A_176, %gt3A_177 : vector<2048x2048xf32>
    %eq3A_179 = vector.broadcast %slice3A_175 : vector<1x2048xf32> to vector<2048x2048xf32>
    %eq3A_180 = vector.broadcast %slice3A_174 : vector<2048x1xf32> to vector<2048x2048xf32>
    %eq3A_181 = arith.cmpf oeq, %eq3A_179, %eq3A_180 : vector<2048x2048xf32>
    %lt3A_182 = arith.cmpi slt, %iota3A_43, %iota3A_42 : vector<2048x2048xi32>
    %and3A_183 = arith.andi %eq3A_181, %lt3A_182 : vector<2048x2048xi1>
    %or3A_184 = arith.ori %gt3A_178, %and3A_183 : vector<2048x2048xi1>
    %jit3A_185 = arith.constant 1.000000e+00 : f32
    %jit3A_186 = arith.constant 0.000000e+00 : f32
    %broadcast_in_dim3A_187 = vector.broadcast %jit3A_185 : f32 to vector<2048x2048xf32>
    %broadcast_in_dim3A_188 = vector.broadcast %jit3A_186 : f32 to vector<2048x2048xf32>
    %select_n3A_189 = arith.select %or3A_184, %broadcast_in_dim3A_187, %broadcast_in_dim3A_188 : vector<2048x2048xi1>, vector<2048x2048xf32>
    %reduce_sum3A_190 = arith.constant dense<0.000000e+00> : vector<2048xf32>
    %reduce_sum3A_191 = vector.multi_reduction <add>, %select_n3A_189, %reduce_sum3A_190 [1] : vector<2048x2048xf32> to vector<2048xf32>
    %broadcast_in_dim3A_192 = vector.shape_cast %reduce_sum3A_191 : vector<2048xf32> to vector<2048x1xf32>
    %reduce_sum3A_193 = arith.constant dense<0.000000e+00> : vector<2048xf32>
    %reduce_sum3A_194 = vector.multi_reduction <add>, %select_n3A_189, %reduce_sum3A_193 [0] : vector<2048x2048xf32> to vector<2048xf32>
    %broadcast_in_dim3A_195 = vector.shape_cast %reduce_sum3A_194 : vector<2048xf32> to vector<1x2048xf32>
    %sub3A_196 = arith.constant 2.047000e+03 : f32
    %sub3A_197 = vector.broadcast %sub3A_196 : f32 to vector<1x2048xf32>
    %sub3A_198 = arith.subf %sub3A_197, %broadcast_in_dim3A_195 : vector<1x2048xf32>
    %convert_element_type3A_199 = arith.fptosi %sub3A_198 : vector<1x2048xf32> to vector<1x2048xi32>
    %eq3A_200 = vector.broadcast %convert_element_type3A_199 : vector<1x2048xi32> to vector<640x2048xi32>
    %eq3A_201 = arith.cmpi eq, %eq3A_200, %iota3A_44 : vector<640x2048xi32>
    %jit3A_202 = arith.constant 0 : i32
    %broadcast_in_dim3A_203 = vector.broadcast %jit3A_202 : i32 to vector<640x2048xi32>
    %select_n3A_204 = arith.select %eq3A_201, %iota3A_45, %broadcast_in_dim3A_203 : vector<640x2048xi1>, vector<640x2048xi32>
    %reduce_sum3A_205 = arith.constant dense<0> : vector<640xi32>
    %reduce_sum3A_206 = vector.multi_reduction <add>, %select_n3A_204, %reduce_sum3A_205 [1] : vector<640x2048xi32> to vector<640xi32>
    %broadcast_in_dim3A_207 = vector.shape_cast %reduce_sum3A_206 : vector<640xi32> to vector<640x1xi32>
    %slice3A_208 = vector.extract_strided_slice %add3A_41 {offsets = [0, 5], sizes = [2048, 1], strides = [1, 1]} : vector<2048x8xf32> to vector<2048x1xf32>
    %slice3A_209 = vector.extract_strided_slice %transpose3A {offsets = [5, 0], sizes = [1, 2048], strides = [1, 1]} : vector<8x2048xf32> to vector<1x2048xf32>
    %gt3A_210 = vector.broadcast %slice3A_209 : vector<1x2048xf32> to vector<2048x2048xf32>
    %gt3A_211 = vector.broadcast %slice3A_208 : vector<2048x1xf32> to vector<2048x2048xf32>
    %gt3A_212 = arith.cmpf ogt, %gt3A_210, %gt3A_211 : vector<2048x2048xf32>
    %eq3A_213 = vector.broadcast %slice3A_209 : vector<1x2048xf32> to vector<2048x2048xf32>
    %eq3A_214 = vector.broadcast %slice3A_208 : vector<2048x1xf32> to vector<2048x2048xf32>
    %eq3A_215 = arith.cmpf oeq, %eq3A_213, %eq3A_214 : vector<2048x2048xf32>
    %lt3A_216 = arith.cmpi slt, %iota3A_43, %iota3A_42 : vector<2048x2048xi32>
    %and3A_217 = arith.andi %eq3A_215, %lt3A_216 : vector<2048x2048xi1>
    %or3A_218 = arith.ori %gt3A_212, %and3A_217 : vector<2048x2048xi1>
    %jit3A_219 = arith.constant 1.000000e+00 : f32
    %jit3A_220 = arith.constant 0.000000e+00 : f32
    %broadcast_in_dim3A_221 = vector.broadcast %jit3A_219 : f32 to vector<2048x2048xf32>
    %broadcast_in_dim3A_222 = vector.broadcast %jit3A_220 : f32 to vector<2048x2048xf32>
    %select_n3A_223 = arith.select %or3A_218, %broadcast_in_dim3A_221, %broadcast_in_dim3A_222 : vector<2048x2048xi1>, vector<2048x2048xf32>
    %reduce_sum3A_224 = arith.constant dense<0.000000e+00> : vector<2048xf32>
    %reduce_sum3A_225 = vector.multi_reduction <add>, %select_n3A_223, %reduce_sum3A_224 [1] : vector<2048x2048xf32> to vector<2048xf32>
    %broadcast_in_dim3A_226 = vector.shape_cast %reduce_sum3A_225 : vector<2048xf32> to vector<2048x1xf32>
    %reduce_sum3A_227 = arith.constant dense<0.000000e+00> : vector<2048xf32>
    %reduce_sum3A_228 = vector.multi_reduction <add>, %select_n3A_223, %reduce_sum3A_227 [0] : vector<2048x2048xf32> to vector<2048xf32>
    %broadcast_in_dim3A_229 = vector.shape_cast %reduce_sum3A_228 : vector<2048xf32> to vector<1x2048xf32>
    %sub3A_230 = arith.constant 2.047000e+03 : f32
    %sub3A_231 = vector.broadcast %sub3A_230 : f32 to vector<1x2048xf32>
    %sub3A_232 = arith.subf %sub3A_231, %broadcast_in_dim3A_229 : vector<1x2048xf32>
    %convert_element_type3A_233 = arith.fptosi %sub3A_232 : vector<1x2048xf32> to vector<1x2048xi32>
    %eq3A_234 = vector.broadcast %convert_element_type3A_233 : vector<1x2048xi32> to vector<640x2048xi32>
    %eq3A_235 = arith.cmpi eq, %eq3A_234, %iota3A_44 : vector<640x2048xi32>
    %jit3A_236 = arith.constant 0 : i32
    %broadcast_in_dim3A_237 = vector.broadcast %jit3A_236 : i32 to vector<640x2048xi32>
    %select_n3A_238 = arith.select %eq3A_235, %iota3A_45, %broadcast_in_dim3A_237 : vector<640x2048xi1>, vector<640x2048xi32>
    %reduce_sum3A_239 = arith.constant dense<0> : vector<640xi32>
    %reduce_sum3A_240 = vector.multi_reduction <add>, %select_n3A_238, %reduce_sum3A_239 [1] : vector<640x2048xi32> to vector<640xi32>
    %broadcast_in_dim3A_241 = vector.shape_cast %reduce_sum3A_240 : vector<640xi32> to vector<640x1xi32>
    %slice3A_242 = vector.extract_strided_slice %add3A_41 {offsets = [0, 6], sizes = [2048, 1], strides = [1, 1]} : vector<2048x8xf32> to vector<2048x1xf32>
    %slice3A_243 = vector.extract_strided_slice %transpose3A {offsets = [6, 0], sizes = [1, 2048], strides = [1, 1]} : vector<8x2048xf32> to vector<1x2048xf32>
    %gt3A_244 = vector.broadcast %slice3A_243 : vector<1x2048xf32> to vector<2048x2048xf32>
    %gt3A_245 = vector.broadcast %slice3A_242 : vector<2048x1xf32> to vector<2048x2048xf32>
    %gt3A_246 = arith.cmpf ogt, %gt3A_244, %gt3A_245 : vector<2048x2048xf32>
    %eq3A_247 = vector.broadcast %slice3A_243 : vector<1x2048xf32> to vector<2048x2048xf32>
    %eq3A_248 = vector.broadcast %slice3A_242 : vector<2048x1xf32> to vector<2048x2048xf32>
    %eq3A_249 = arith.cmpf oeq, %eq3A_247, %eq3A_248 : vector<2048x2048xf32>
    %lt3A_250 = arith.cmpi slt, %iota3A_43, %iota3A_42 : vector<2048x2048xi32>
    %and3A_251 = arith.andi %eq3A_249, %lt3A_250 : vector<2048x2048xi1>
    %or3A_252 = arith.ori %gt3A_246, %and3A_251 : vector<2048x2048xi1>
    %jit3A_253 = arith.constant 1.000000e+00 : f32
    %jit3A_254 = arith.constant 0.000000e+00 : f32
    %broadcast_in_dim3A_255 = vector.broadcast %jit3A_253 : f32 to vector<2048x2048xf32>
    %broadcast_in_dim3A_256 = vector.broadcast %jit3A_254 : f32 to vector<2048x2048xf32>
    %select_n3A_257 = arith.select %or3A_252, %broadcast_in_dim3A_255, %broadcast_in_dim3A_256 : vector<2048x2048xi1>, vector<2048x2048xf32>
    %reduce_sum3A_258 = arith.constant dense<0.000000e+00> : vector<2048xf32>
    %reduce_sum3A_259 = vector.multi_reduction <add>, %select_n3A_257, %reduce_sum3A_258 [1] : vector<2048x2048xf32> to vector<2048xf32>
    %broadcast_in_dim3A_260 = vector.shape_cast %reduce_sum3A_259 : vector<2048xf32> to vector<2048x1xf32>
    %reduce_sum3A_261 = arith.constant dense<0.000000e+00> : vector<2048xf32>
    %reduce_sum3A_262 = vector.multi_reduction <add>, %select_n3A_257, %reduce_sum3A_261 [0] : vector<2048x2048xf32> to vector<2048xf32>
    %broadcast_in_dim3A_263 = vector.shape_cast %reduce_sum3A_262 : vector<2048xf32> to vector<1x2048xf32>
    %sub3A_264 = arith.constant 2.047000e+03 : f32
    %sub3A_265 = vector.broadcast %sub3A_264 : f32 to vector<1x2048xf32>
    %sub3A_266 = arith.subf %sub3A_265, %broadcast_in_dim3A_263 : vector<1x2048xf32>
    %convert_element_type3A_267 = arith.fptosi %sub3A_266 : vector<1x2048xf32> to vector<1x2048xi32>
    %eq3A_268 = vector.broadcast %convert_element_type3A_267 : vector<1x2048xi32> to vector<640x2048xi32>
    %eq3A_269 = arith.cmpi eq, %eq3A_268, %iota3A_44 : vector<640x2048xi32>
    %jit3A_270 = arith.constant 0 : i32
    %broadcast_in_dim3A_271 = vector.broadcast %jit3A_270 : i32 to vector<640x2048xi32>
    %select_n3A_272 = arith.select %eq3A_269, %iota3A_45, %broadcast_in_dim3A_271 : vector<640x2048xi1>, vector<640x2048xi32>
    %reduce_sum3A_273 = arith.constant dense<0> : vector<640xi32>
    %reduce_sum3A_274 = vector.multi_reduction <add>, %select_n3A_272, %reduce_sum3A_273 [1] : vector<640x2048xi32> to vector<640xi32>
    %broadcast_in_dim3A_275 = vector.shape_cast %reduce_sum3A_274 : vector<640xi32> to vector<640x1xi32>
    %slice3A_276 = vector.extract_strided_slice %add3A_41 {offsets = [0, 7], sizes = [2048, 1], strides = [1, 1]} : vector<2048x8xf32> to vector<2048x1xf32>
    %slice3A_277 = vector.extract_strided_slice %transpose3A {offsets = [7, 0], sizes = [1, 2048], strides = [1, 1]} : vector<8x2048xf32> to vector<1x2048xf32>
    %gt3A_278 = vector.broadcast %slice3A_277 : vector<1x2048xf32> to vector<2048x2048xf32>
    %gt3A_279 = vector.broadcast %slice3A_276 : vector<2048x1xf32> to vector<2048x2048xf32>
    %gt3A_280 = arith.cmpf ogt, %gt3A_278, %gt3A_279 : vector<2048x2048xf32>
    %eq3A_281 = vector.broadcast %slice3A_277 : vector<1x2048xf32> to vector<2048x2048xf32>
    %eq3A_282 = vector.broadcast %slice3A_276 : vector<2048x1xf32> to vector<2048x2048xf32>
    %eq3A_283 = arith.cmpf oeq, %eq3A_281, %eq3A_282 : vector<2048x2048xf32>
    %lt3A_284 = arith.cmpi slt, %iota3A_43, %iota3A_42 : vector<2048x2048xi32>
    %and3A_285 = arith.andi %eq3A_283, %lt3A_284 : vector<2048x2048xi1>
    %or3A_286 = arith.ori %gt3A_280, %and3A_285 : vector<2048x2048xi1>
    %jit3A_287 = arith.constant 1.000000e+00 : f32
    %jit3A_288 = arith.constant 0.000000e+00 : f32
    %broadcast_in_dim3A_289 = vector.broadcast %jit3A_287 : f32 to vector<2048x2048xf32>
    %broadcast_in_dim3A_290 = vector.broadcast %jit3A_288 : f32 to vector<2048x2048xf32>
    %select_n3A_291 = arith.select %or3A_286, %broadcast_in_dim3A_289, %broadcast_in_dim3A_290 : vector<2048x2048xi1>, vector<2048x2048xf32>
    %reduce_sum3A_292 = arith.constant dense<0.000000e+00> : vector<2048xf32>
    %reduce_sum3A_293 = vector.multi_reduction <add>, %select_n3A_291, %reduce_sum3A_292 [1] : vector<2048x2048xf32> to vector<2048xf32>
    %broadcast_in_dim3A_294 = vector.shape_cast %reduce_sum3A_293 : vector<2048xf32> to vector<2048x1xf32>
    %reduce_sum3A_295 = arith.constant dense<0.000000e+00> : vector<2048xf32>
    %reduce_sum3A_296 = vector.multi_reduction <add>, %select_n3A_291, %reduce_sum3A_295 [0] : vector<2048x2048xf32> to vector<2048xf32>
    %broadcast_in_dim3A_297 = vector.shape_cast %reduce_sum3A_296 : vector<2048xf32> to vector<1x2048xf32>
    %sub3A_298 = arith.constant 2.047000e+03 : f32
    %sub3A_299 = vector.broadcast %sub3A_298 : f32 to vector<1x2048xf32>
    %sub3A_300 = arith.subf %sub3A_299, %broadcast_in_dim3A_297 : vector<1x2048xf32>
    %convert_element_type3A_301 = arith.fptosi %sub3A_300 : vector<1x2048xf32> to vector<1x2048xi32>
    %eq3A_302 = vector.broadcast %convert_element_type3A_301 : vector<1x2048xi32> to vector<640x2048xi32>
    %eq3A_303 = arith.cmpi eq, %eq3A_302, %iota3A_44 : vector<640x2048xi32>
    %jit3A_304 = arith.constant 0 : i32
    %broadcast_in_dim3A_305 = vector.broadcast %jit3A_304 : i32 to vector<640x2048xi32>
    %select_n3A_306 = arith.select %eq3A_303, %iota3A_45, %broadcast_in_dim3A_305 : vector<640x2048xi1>, vector<640x2048xi32>
    %reduce_sum3A_307 = arith.constant dense<0> : vector<640xi32>
    %reduce_sum3A_308 = vector.multi_reduction <add>, %select_n3A_306, %reduce_sum3A_307 [1] : vector<640x2048xi32> to vector<640xi32>
    %broadcast_in_dim3A_309 = vector.shape_cast %reduce_sum3A_308 : vector<640xi32> to vector<640x1xi32>
    %concatenate3A = tpu.concatenate %broadcast_in_dim3A_58, %broadcast_in_dim3A_90, %broadcast_in_dim3A_124, %broadcast_in_dim3A_158, %broadcast_in_dim3A_192, %broadcast_in_dim3A_226, %broadcast_in_dim3A_260, %broadcast_in_dim3A_294 in 1 : vector<2048x1xf32>, vector<2048x1xf32>, vector<2048x1xf32>, vector<2048x1xf32>, vector<2048x1xf32>, vector<2048x1xf32>, vector<2048x1xf32>, vector<2048x1xf32> -> vector<2048x8xf32>
    %concatenate3A_310 = tpu.concatenate %broadcast_in_dim3A_71, %broadcast_in_dim3A_105, %broadcast_in_dim3A_139, %broadcast_in_dim3A_173, %broadcast_in_dim3A_207, %broadcast_in_dim3A_241, %broadcast_in_dim3A_275, %broadcast_in_dim3A_309 in 1 : vector<640x1xi32>, vector<640x1xi32>, vector<640x1xi32>, vector<640x1xi32>, vector<640x1xi32>, vector<640x1xi32>, vector<640x1xi32>, vector<640x1xi32> -> vector<640x8xi32>
    %swap3A = arith.constant 0 : index
    %swap3A_311 = arith.constant 0 : index
    %swap3A_312 = vector.load %arg1[%swap3A, %swap3A_311] : memref<640x8xi32, #tpu.memory_space<vmem>>, vector<640x8xi32>
    tpu.vector_store %arg1[%swap3A, %swap3A_311], %concatenate3A_310 {strides = array<i32>} : memref<640x8xi32, #tpu.memory_space<vmem>>, vector<640x8xi32>,
    %eq3A_313 = vector.broadcast %broadcast_in_dim3A_6 : vector<2048x1xi32> to vector<2048x8xi32>
    %eq3A_314 = arith.cmpi eq, %iota3A, %eq3A_313 : vector<2048x8xi32>
    %jit3A_315 = arith.constant 0.000000e+00 : f32
    %broadcast_in_dim3A_316 = vector.broadcast %jit3A_315 : f32 to vector<2048x8xf32>
    %select_n3A_317 = arith.select %eq3A_314, %concatenate3A, %broadcast_in_dim3A_316 : vector<2048x8xi1>, vector<2048x8xf32>
    %reduce_sum3A_318 = arith.constant dense<0.000000e+00> : vector<2048xf32>
    %reduce_sum3A_319 = vector.multi_reduction <add>, %select_n3A_317, %reduce_sum3A_318 [1] : vector<2048x8xf32> to vector<2048xf32>
    %broadcast_in_dim3A_320 = vector.shape_cast %reduce_sum3A_319 : vector<2048xf32> to vector<2048x1xf32>
    %eq3A_321 = vector.broadcast %broadcast_in_dim3A_22 : vector<2048x1xi32> to vector<2048x8xi32>
    %eq3A_322 = arith.cmpi eq, %iota3A, %eq3A_321 : vector<2048x8xi32>
    %jit3A_323 = arith.constant 0.000000e+00 : f32
    %broadcast_in_dim3A_324 = vector.broadcast %jit3A_323 : f32 to vector<2048x8xf32>
    %select_n3A_325 = arith.select %eq3A_322, %concatenate3A, %broadcast_in_dim3A_324 : vector<2048x8xi1>, vector<2048x8xf32>
    %reduce_sum3A_326 = arith.constant dense<0.000000e+00> : vector<2048xf32>
    %reduce_sum3A_327 = vector.multi_reduction <add>, %select_n3A_325, %reduce_sum3A_326 [1] : vector<2048x8xf32> to vector<2048xf32>
    %broadcast_in_dim3A_328 = vector.shape_cast %reduce_sum3A_327 : vector<2048xf32> to vector<2048x1xf32>
    %mul3A = arith.constant 640 : i32
    %mul3A_329 = vector.broadcast %mul3A : i32 to vector<2048x1xi32>
    %mul3A_330 = arith.muli %broadcast_in_dim3A_6, %mul3A_329 : vector<2048x1xi32>
    %min3A = arith.constant 6.390000e+02 : f32
    %min3A_331 = vector.broadcast %min3A : f32 to vector<2048x1xf32>
    %min3A_332 = arith.minimumf %broadcast_in_dim3A_320, %min3A_331 : vector<2048x1xf32>
    %convert_element_type3A_333 = arith.fptosi %min3A_332 : vector<2048x1xf32> to vector<2048x1xi32>
    %add3A_334 = arith.addi %mul3A_330, %convert_element_type3A_333 : vector<2048x1xi32>
    %mul3A_335 = arith.constant 640 : i32
    %mul3A_336 = vector.broadcast %mul3A_335 : i32 to vector<2048x1xi32>
    %mul3A_337 = arith.muli %broadcast_in_dim3A_22, %mul3A_336 : vector<2048x1xi32>
    %min3A_338 = arith.constant 6.390000e+02 : f32
    %min3A_339 = vector.broadcast %min3A_338 : f32 to vector<2048x1xf32>
    %min3A_340 = arith.minimumf %broadcast_in_dim3A_328, %min3A_339 : vector<2048x1xf32>
    %convert_element_type3A_341 = arith.fptosi %min3A_340 : vector<2048x1xf32> to vector<2048x1xi32>
    %add3A_342 = arith.addi %mul3A_337, %convert_element_type3A_341 : vector<2048x1xi32>
    %concatenate3A_343 = tpu.concatenate %add3A_334, %add3A_342 in 1 : vector<2048x1xi32>, vector<2048x1xi32> -> vector<2048x2xi32>
    %swap3A_344 = arith.constant 0 : index
    %swap3A_345 = arith.constant 0 : index
    %swap3A_346 = vector.load %arg2[%swap3A_344, %swap3A_345] : memref<2048x2xi32, #tpu.memory_space<vmem>>, vector<2048x2xi32>
    tpu.vector_store %arg2[%swap3A_344, %swap3A_345], %concatenate3A_343 {strides = array<i32>} : memref<2048x2xi32, #tpu.memory_space<vmem>>, vector<2048x2xi32>,
    %lt3A_347 = arith.constant 6.400000e+02 : f32
    %lt3A_348 = vector.broadcast %lt3A_347 : f32 to vector<2048x1xf32>
    %lt3A_349 = arith.cmpf olt, %broadcast_in_dim3A_320, %lt3A_348 : vector<2048x1xf32>
    %jit3A_350 = arith.constant 0.000000e+00 : f32
    %broadcast_in_dim3A_351 = vector.broadcast %jit3A_350 : f32 to vector<2048x1xf32>
    %select_n3A_352 = arith.select %lt3A_349, %div3A, %broadcast_in_dim3A_351 : vector<2048x1xi1>, vector<2048x1xf32>
    %lt3A_353 = arith.constant 6.400000e+02 : f32
    %lt3A_354 = vector.broadcast %lt3A_353 : f32 to vector<2048x1xf32>
    %lt3A_355 = arith.cmpf olt, %broadcast_in_dim3A_328, %lt3A_354 : vector<2048x1xf32>
    %jit3A_356 = arith.constant 0.000000e+00 : f32
    %broadcast_in_dim3A_357 = vector.broadcast %jit3A_356 : f32 to vector<2048x1xf32>
    %select_n3A_358 = arith.select %lt3A_355, %div3A_26, %broadcast_in_dim3A_357 : vector<2048x1xi1>, vector<2048x1xf32>
    %concatenate3A_359 = tpu.concatenate %select_n3A_352, %select_n3A_358 in 1 : vector<2048x1xf32>, vector<2048x1xf32> -> vector<2048x2xf32>
    %swap3A_360 = arith.constant 0 : index
    %swap3A_361 = arith.constant 0 : index
    %swap3A_362 = vector.load %arg3[%swap3A_360, %swap3A_361] : memref<2048x2xf32, #tpu.memory_space<vmem>>, vector<2048x2xf32>
    tpu.vector_store %arg3[%swap3A_360, %swap3A_361], %concatenate3A_359 {strides = array<i32>} : memref<2048x2xf32, #tpu.memory_space<vmem>>, vector<2048x2xf32>,
    return
  }
}

module attributes {stable_mosaic.version = 14 : i64} {
  func.func @_gather_body(%arg0: i32, %arg1: memref<5120xi32, #tpu.memory_space<smem>>, %arg2: memref<1x1x768xf32, #tpu.memory_space<vmem>>, %arg3: memref<1x1x768xf32, #tpu.memory_space<vmem>>, %arg4: memref<1x1x768xf32, #tpu.memory_space<vmem>>, %arg5: memref<1x1x768xf32, #tpu.memory_space<vmem>>, %arg6: memref<1x1x768xf32, #tpu.memory_space<vmem>>, %arg7: memref<1x1x768xf32, #tpu.memory_space<vmem>>, %arg8: memref<1x1x768xf32, #tpu.memory_space<vmem>>, %arg9: memref<1x1x768xf32, #tpu.memory_space<vmem>>, %arg10: memref<8x768xf32, #tpu.memory_space<vmem>>) attributes {dimension_semantics = [#tpu.dimension_semantics<arbitrary>], iteration_bounds = array<i64: 640>, scalar_prefetch = 1 : i64, scratch_operands = 0 : i64, tpu.core_type = #tpu.core_type<tc>, window_params = [{transform_indices = @transform_0, window_bounds = array<i64: 1, 1, 768>}, {transform_indices = @transform_1, window_bounds = array<i64: 1, 1, 768>}, {transform_indices = @transform_2, window_bounds = array<i64: 1, 1, 768>}, {transform_indices = @transform_3, window_bounds = array<i64: 1, 1, 768>}, {transform_indices = @transform_4, window_bounds = array<i64: 1, 1, 768>}, {transform_indices = @transform_5, window_bounds = array<i64: 1, 1, 768>}, {transform_indices = @transform_6, window_bounds = array<i64: 1, 1, 768>}, {transform_indices = @transform_7, window_bounds = array<i64: 1, 1, 768>}, {transform_indices = @transform_8, window_bounds = array<i64: 8, 768>}]} {
    %get3A = arith.constant 0 : index
    %get3A_0 = arith.constant 0 : index
    %get3A_1 = arith.constant 0 : index
    %get3A_2 = vector.load %arg2[%get3A, %get3A_0, %get3A_1] : memref<1x1x768xf32, #tpu.memory_space<vmem>>, vector<1x1x768xf32>
    %get3A_3 = vector.shape_cast %get3A_2 : vector<1x1x768xf32> to vector<768xf32>
    %swap3A = arith.constant 0 : index
    %swap3A_4 = arith.constant 0 : index
    %swap3A_5 = vector.load %arg10[%swap3A, %swap3A_4] : memref<8x768xf32, #tpu.memory_space<vmem>>, vector<1x768xf32>
    %swap3A_6 = vector.shape_cast %swap3A_5 : vector<1x768xf32> to vector<768xf32>
    %swap3A_7 = vector.shape_cast %get3A_3 : vector<768xf32> to vector<1x768xf32>
    tpu.vector_store %arg10[%swap3A, %swap3A_4], %swap3A_7 {strides = array<i32>} : memref<8x768xf32, #tpu.memory_space<vmem>>, vector<1x768xf32>,
    %get3A_8 = arith.constant 0 : index
    %get3A_9 = arith.constant 0 : index
    %get3A_10 = arith.constant 0 : index
    %get3A_11 = vector.load %arg3[%get3A_8, %get3A_9, %get3A_10] : memref<1x1x768xf32, #tpu.memory_space<vmem>>, vector<1x1x768xf32>
    %get3A_12 = vector.shape_cast %get3A_11 : vector<1x1x768xf32> to vector<768xf32>
    %swap3A_13 = arith.constant 1 : index
    %swap3A_14 = arith.constant 0 : index
    %swap3A_15 = vector.load %arg10[%swap3A_13, %swap3A_14] : memref<8x768xf32, #tpu.memory_space<vmem>>, vector<1x768xf32>
    %swap3A_16 = vector.shape_cast %swap3A_15 : vector<1x768xf32> to vector<768xf32>
    %swap3A_17 = vector.shape_cast %get3A_12 : vector<768xf32> to vector<1x768xf32>
    tpu.vector_store %arg10[%swap3A_13, %swap3A_14], %swap3A_17 {strides = array<i32>} : memref<8x768xf32, #tpu.memory_space<vmem>>, vector<1x768xf32>,
    %get3A_18 = arith.constant 0 : index
    %get3A_19 = arith.constant 0 : index
    %get3A_20 = arith.constant 0 : index
    %get3A_21 = vector.load %arg4[%get3A_18, %get3A_19, %get3A_20] : memref<1x1x768xf32, #tpu.memory_space<vmem>>, vector<1x1x768xf32>
    %get3A_22 = vector.shape_cast %get3A_21 : vector<1x1x768xf32> to vector<768xf32>
    %swap3A_23 = arith.constant 2 : index
    %swap3A_24 = arith.constant 0 : index
    %swap3A_25 = vector.load %arg10[%swap3A_23, %swap3A_24] : memref<8x768xf32, #tpu.memory_space<vmem>>, vector<1x768xf32>
    %swap3A_26 = vector.shape_cast %swap3A_25 : vector<1x768xf32> to vector<768xf32>
    %swap3A_27 = vector.shape_cast %get3A_22 : vector<768xf32> to vector<1x768xf32>
    tpu.vector_store %arg10[%swap3A_23, %swap3A_24], %swap3A_27 {strides = array<i32>} : memref<8x768xf32, #tpu.memory_space<vmem>>, vector<1x768xf32>,
    %get3A_28 = arith.constant 0 : index
    %get3A_29 = arith.constant 0 : index
    %get3A_30 = arith.constant 0 : index
    %get3A_31 = vector.load %arg5[%get3A_28, %get3A_29, %get3A_30] : memref<1x1x768xf32, #tpu.memory_space<vmem>>, vector<1x1x768xf32>
    %get3A_32 = vector.shape_cast %get3A_31 : vector<1x1x768xf32> to vector<768xf32>
    %swap3A_33 = arith.constant 3 : index
    %swap3A_34 = arith.constant 0 : index
    %swap3A_35 = vector.load %arg10[%swap3A_33, %swap3A_34] : memref<8x768xf32, #tpu.memory_space<vmem>>, vector<1x768xf32>
    %swap3A_36 = vector.shape_cast %swap3A_35 : vector<1x768xf32> to vector<768xf32>
    %swap3A_37 = vector.shape_cast %get3A_32 : vector<768xf32> to vector<1x768xf32>
    tpu.vector_store %arg10[%swap3A_33, %swap3A_34], %swap3A_37 {strides = array<i32>} : memref<8x768xf32, #tpu.memory_space<vmem>>, vector<1x768xf32>,
    %get3A_38 = arith.constant 0 : index
    %get3A_39 = arith.constant 0 : index
    %get3A_40 = arith.constant 0 : index
    %get3A_41 = vector.load %arg6[%get3A_38, %get3A_39, %get3A_40] : memref<1x1x768xf32, #tpu.memory_space<vmem>>, vector<1x1x768xf32>
    %get3A_42 = vector.shape_cast %get3A_41 : vector<1x1x768xf32> to vector<768xf32>
    %swap3A_43 = arith.constant 4 : index
    %swap3A_44 = arith.constant 0 : index
    %swap3A_45 = vector.load %arg10[%swap3A_43, %swap3A_44] : memref<8x768xf32, #tpu.memory_space<vmem>>, vector<1x768xf32>
    %swap3A_46 = vector.shape_cast %swap3A_45 : vector<1x768xf32> to vector<768xf32>
    %swap3A_47 = vector.shape_cast %get3A_42 : vector<768xf32> to vector<1x768xf32>
    tpu.vector_store %arg10[%swap3A_43, %swap3A_44], %swap3A_47 {strides = array<i32>} : memref<8x768xf32, #tpu.memory_space<vmem>>, vector<1x768xf32>,
    %get3A_48 = arith.constant 0 : index
    %get3A_49 = arith.constant 0 : index
    %get3A_50 = arith.constant 0 : index
    %get3A_51 = vector.load %arg7[%get3A_48, %get3A_49, %get3A_50] : memref<1x1x768xf32, #tpu.memory_space<vmem>>, vector<1x1x768xf32>
    %get3A_52 = vector.shape_cast %get3A_51 : vector<1x1x768xf32> to vector<768xf32>
    %swap3A_53 = arith.constant 5 : index
    %swap3A_54 = arith.constant 0 : index
    %swap3A_55 = vector.load %arg10[%swap3A_53, %swap3A_54] : memref<8x768xf32, #tpu.memory_space<vmem>>, vector<1x768xf32>
    %swap3A_56 = vector.shape_cast %swap3A_55 : vector<1x768xf32> to vector<768xf32>
    %swap3A_57 = vector.shape_cast %get3A_52 : vector<768xf32> to vector<1x768xf32>
    tpu.vector_store %arg10[%swap3A_53, %swap3A_54], %swap3A_57 {strides = array<i32>} : memref<8x768xf32, #tpu.memory_space<vmem>>, vector<1x768xf32>,
    %get3A_58 = arith.constant 0 : index
    %get3A_59 = arith.constant 0 : index
    %get3A_60 = arith.constant 0 : index
    %get3A_61 = vector.load %arg8[%get3A_58, %get3A_59, %get3A_60] : memref<1x1x768xf32, #tpu.memory_space<vmem>>, vector<1x1x768xf32>
    %get3A_62 = vector.shape_cast %get3A_61 : vector<1x1x768xf32> to vector<768xf32>
    %swap3A_63 = arith.constant 6 : index
    %swap3A_64 = arith.constant 0 : index
    %swap3A_65 = vector.load %arg10[%swap3A_63, %swap3A_64] : memref<8x768xf32, #tpu.memory_space<vmem>>, vector<1x768xf32>
    %swap3A_66 = vector.shape_cast %swap3A_65 : vector<1x768xf32> to vector<768xf32>
    %swap3A_67 = vector.shape_cast %get3A_62 : vector<768xf32> to vector<1x768xf32>
    tpu.vector_store %arg10[%swap3A_63, %swap3A_64], %swap3A_67 {strides = array<i32>} : memref<8x768xf32, #tpu.memory_space<vmem>>, vector<1x768xf32>,
    %get3A_68 = arith.constant 0 : index
    %get3A_69 = arith.constant 0 : index
    %get3A_70 = arith.constant 0 : index
    %get3A_71 = vector.load %arg9[%get3A_68, %get3A_69, %get3A_70] : memref<1x1x768xf32, #tpu.memory_space<vmem>>, vector<1x1x768xf32>
    %get3A_72 = vector.shape_cast %get3A_71 : vector<1x1x768xf32> to vector<768xf32>
    %swap3A_73 = arith.constant 7 : index
    %swap3A_74 = arith.constant 0 : index
    %swap3A_75 = vector.load %arg10[%swap3A_73, %swap3A_74] : memref<8x768xf32, #tpu.memory_space<vmem>>, vector<1x768xf32>
    %swap3A_76 = vector.shape_cast %swap3A_75 : vector<1x768xf32> to vector<768xf32>
    %swap3A_77 = vector.shape_cast %get3A_72 : vector<768xf32> to vector<1x768xf32>
    tpu.vector_store %arg10[%swap3A_73, %swap3A_74], %swap3A_77 {strides = array<i32>} : memref<8x768xf32, #tpu.memory_space<vmem>>, vector<1x768xf32>,
    return
  }
  func.func @transform_0(%arg0: i32, %arg1: memref<5120xi32, #tpu.memory_space<smem>>) -> (i32, i32, i32) {
    %mul3A = arith.constant 8 : i32
    %mul3A_0 = arith.muli %arg0, %mul3A : i32
    %add3A = arith.constant 0 : i32
    %add3A_1 = arith.addi %mul3A_0, %add3A : i32
    %get3A = arith.index_cast %add3A_1 : i32 to index
    %get3A_2 = memref.load %arg1[%get3A] : memref<5120xi32, #tpu.memory_space<smem>>
    %c0_i32 = arith.constant 0 : i32
    %c0_i32_3 = arith.constant 0 : i32
    %c0_i32_4 = arith.constant 0 : i32
    return %get3A_2, %c0_i32, %c0_i32_3 : i32, i32, i32
  }
  func.func @transform_1(%arg0: i32, %arg1: memref<5120xi32, #tpu.memory_space<smem>>) -> (i32, i32, i32) {
    %mul3A = arith.constant 8 : i32
    %mul3A_0 = arith.muli %arg0, %mul3A : i32
    %add3A = arith.constant 1 : i32
    %add3A_1 = arith.addi %mul3A_0, %add3A : i32
    %get3A = arith.index_cast %add3A_1 : i32 to index
    %get3A_2 = memref.load %arg1[%get3A] : memref<5120xi32, #tpu.memory_space<smem>>
    %c0_i32 = arith.constant 0 : i32
    %c0_i32_3 = arith.constant 0 : i32
    %c0_i32_4 = arith.constant 0 : i32
    return %get3A_2, %c0_i32, %c0_i32_3 : i32, i32, i32
  }
  func.func @transform_2(%arg0: i32, %arg1: memref<5120xi32, #tpu.memory_space<smem>>) -> (i32, i32, i32) {
    %mul3A = arith.constant 8 : i32
    %mul3A_0 = arith.muli %arg0, %mul3A : i32
    %add3A = arith.constant 2 : i32
    %add3A_1 = arith.addi %mul3A_0, %add3A : i32
    %get3A = arith.index_cast %add3A_1 : i32 to index
    %get3A_2 = memref.load %arg1[%get3A] : memref<5120xi32, #tpu.memory_space<smem>>
    %c0_i32 = arith.constant 0 : i32
    %c0_i32_3 = arith.constant 0 : i32
    %c0_i32_4 = arith.constant 0 : i32
    return %get3A_2, %c0_i32, %c0_i32_3 : i32, i32, i32
  }
  func.func @transform_3(%arg0: i32, %arg1: memref<5120xi32, #tpu.memory_space<smem>>) -> (i32, i32, i32) {
    %mul3A = arith.constant 8 : i32
    %mul3A_0 = arith.muli %arg0, %mul3A : i32
    %add3A = arith.constant 3 : i32
    %add3A_1 = arith.addi %mul3A_0, %add3A : i32
    %get3A = arith.index_cast %add3A_1 : i32 to index
    %get3A_2 = memref.load %arg1[%get3A] : memref<5120xi32, #tpu.memory_space<smem>>
    %c0_i32 = arith.constant 0 : i32
    %c0_i32_3 = arith.constant 0 : i32
    %c0_i32_4 = arith.constant 0 : i32
    return %get3A_2, %c0_i32, %c0_i32_3 : i32, i32, i32
  }
  func.func @transform_4(%arg0: i32, %arg1: memref<5120xi32, #tpu.memory_space<smem>>) -> (i32, i32, i32) {
    %mul3A = arith.constant 8 : i32
    %mul3A_0 = arith.muli %arg0, %mul3A : i32
    %add3A = arith.constant 4 : i32
    %add3A_1 = arith.addi %mul3A_0, %add3A : i32
    %get3A = arith.index_cast %add3A_1 : i32 to index
    %get3A_2 = memref.load %arg1[%get3A] : memref<5120xi32, #tpu.memory_space<smem>>
    %c0_i32 = arith.constant 0 : i32
    %c0_i32_3 = arith.constant 0 : i32
    %c0_i32_4 = arith.constant 0 : i32
    return %get3A_2, %c0_i32, %c0_i32_3 : i32, i32, i32
  }
  func.func @transform_5(%arg0: i32, %arg1: memref<5120xi32, #tpu.memory_space<smem>>) -> (i32, i32, i32) {
    %mul3A = arith.constant 8 : i32
    %mul3A_0 = arith.muli %arg0, %mul3A : i32
    %add3A = arith.constant 5 : i32
    %add3A_1 = arith.addi %mul3A_0, %add3A : i32
    %get3A = arith.index_cast %add3A_1 : i32 to index
    %get3A_2 = memref.load %arg1[%get3A] : memref<5120xi32, #tpu.memory_space<smem>>
    %c0_i32 = arith.constant 0 : i32
    %c0_i32_3 = arith.constant 0 : i32
    %c0_i32_4 = arith.constant 0 : i32
    return %get3A_2, %c0_i32, %c0_i32_3 : i32, i32, i32
  }
  func.func @transform_6(%arg0: i32, %arg1: memref<5120xi32, #tpu.memory_space<smem>>) -> (i32, i32, i32) {
    %mul3A = arith.constant 8 : i32
    %mul3A_0 = arith.muli %arg0, %mul3A : i32
    %add3A = arith.constant 6 : i32
    %add3A_1 = arith.addi %mul3A_0, %add3A : i32
    %get3A = arith.index_cast %add3A_1 : i32 to index
    %get3A_2 = memref.load %arg1[%get3A] : memref<5120xi32, #tpu.memory_space<smem>>
    %c0_i32 = arith.constant 0 : i32
    %c0_i32_3 = arith.constant 0 : i32
    %c0_i32_4 = arith.constant 0 : i32
    return %get3A_2, %c0_i32, %c0_i32_3 : i32, i32, i32
  }
  func.func @transform_7(%arg0: i32, %arg1: memref<5120xi32, #tpu.memory_space<smem>>) -> (i32, i32, i32) {
    %mul3A = arith.constant 8 : i32
    %mul3A_0 = arith.muli %arg0, %mul3A : i32
    %add3A = arith.constant 7 : i32
    %add3A_1 = arith.addi %mul3A_0, %add3A : i32
    %get3A = arith.index_cast %add3A_1 : i32 to index
    %get3A_2 = memref.load %arg1[%get3A] : memref<5120xi32, #tpu.memory_space<smem>>
    %c0_i32 = arith.constant 0 : i32
    %c0_i32_3 = arith.constant 0 : i32
    %c0_i32_4 = arith.constant 0 : i32
    return %get3A_2, %c0_i32, %c0_i32_3 : i32, i32, i32
  }
  func.func @transform_8(%arg0: i32, %arg1: memref<5120xi32, #tpu.memory_space<smem>>) -> (i32, i32) {
    %c0_i32 = arith.constant 0 : i32
    %c0_i32_0 = arith.constant 0 : i32
    return %arg0, %c0_i32 : i32, i32
  }
}

module attributes {stable_mosaic.version = 14 : i64} {
  func.func @_ffn_body(%arg0: i32, %arg1: i32, %arg2: memref<1x320x768xf32, #tpu.memory_space<vmem>>, %arg3: memref<1x768x1536xf32, #tpu.memory_space<vmem>>, %arg4: memref<1x1x1536xf32, #tpu.memory_space<vmem>>, %arg5: memref<1x1536x768xf32, #tpu.memory_space<vmem>>, %arg6: memref<1x1x768xf32, #tpu.memory_space<vmem>>, %arg7: memref<1x320x768xf32, #tpu.memory_space<vmem>>) attributes {dimension_semantics = [#tpu.dimension_semantics<arbitrary>, #tpu.dimension_semantics<arbitrary>], iteration_bounds = array<i64: 8, 2>, scalar_prefetch = 0 : i64, scratch_operands = 0 : i64, tpu.core_type = #tpu.core_type<tc>, window_params = [{transform_indices = @transform_0, window_bounds = array<i64: 1, 320, 768>}, {transform_indices = @transform_1, window_bounds = array<i64: 1, 768, 1536>}, {transform_indices = @transform_2, window_bounds = array<i64: 1, 1, 1536>}, {transform_indices = @transform_3, window_bounds = array<i64: 1, 1536, 768>}, {transform_indices = @transform_4, window_bounds = array<i64: 1, 1, 768>}, {transform_indices = @transform_5, window_bounds = array<i64: 1, 320, 768>}]} {
    %get3A = arith.constant 0 : index
    %get3A_0 = arith.constant 0 : index
    %get3A_1 = arith.constant 0 : index
    %get3A_2 = vector.load %arg2[%get3A, %get3A_0, %get3A_1] : memref<1x320x768xf32, #tpu.memory_space<vmem>>, vector<1x320x768xf32>
    %get3A_3 = vector.shape_cast %get3A_2 : vector<1x320x768xf32> to vector<320x768xf32>
    %get3A_4 = arith.constant 0 : index
    %get3A_5 = arith.constant 0 : index
    %get3A_6 = arith.constant 0 : index
    %get3A_7 = vector.load %arg3[%get3A_4, %get3A_5, %get3A_6] : memref<1x768x1536xf32, #tpu.memory_space<vmem>>, vector<1x768x1536xf32>
    %get3A_8 = vector.shape_cast %get3A_7 : vector<1x768x1536xf32> to vector<768x1536xf32>
    %convert_element_type3A = arith.truncf %get3A_3 : vector<320x768xf32> to vector<320x768xbf16>
    %convert_element_type3A_9 = arith.truncf %get3A_8 : vector<768x1536xf32> to vector<768x1536xbf16>
    %dot_general3A = arith.constant dense<0.000000e+00> : vector<320x1536xf32>
    %dot_general3A_10 = tpu.matmul %convert_element_type3A, %convert_element_type3A_9, %dot_general3A {dimension_numbers = #tpu.dot_dimension_numbers<[1], [0], [0], [1], [0, 0, 1, 1], [], []>, transpose_lhs_hint = false} : vector<320x768xbf16>, vector<768x1536xbf16>, vector<320x1536xf32> -> vector<320x1536xf32>
    %get3A_11 = arith.constant 0 : index
    %get3A_12 = arith.constant 0 : index
    %get3A_13 = arith.constant 0 : index
    %get3A_14 = vector.load %arg4[%get3A_11, %get3A_12, %get3A_13] : memref<1x1x1536xf32, #tpu.memory_space<vmem>>, vector<1x1x1536xf32>
    %get3A_15 = vector.shape_cast %get3A_14 : vector<1x1x1536xf32> to vector<1x1536xf32>
    %add3A = vector.broadcast %get3A_15 : vector<1x1536xf32> to vector<320x1536xf32>
    %add3A_16 = arith.addf %dot_general3A_10, %add3A : vector<320x1536xf32>
    %integer_pow3A = arith.mulf %add3A_16, %add3A_16 : vector<320x1536xf32>
    %integer_pow3A_17 = arith.mulf %add3A_16, %integer_pow3A : vector<320x1536xf32>
    %mul3A = arith.constant 4.471500e-02 : f32
    %mul3A_18 = vector.broadcast %mul3A : f32 to vector<320x1536xf32>
    %mul3A_19 = arith.mulf %mul3A_18, %integer_pow3A_17 : vector<320x1536xf32>
    %add3A_20 = arith.addf %add3A_16, %mul3A_19 : vector<320x1536xf32>
    %mul3A_21 = arith.constant 0.797884583 : f32
    %mul3A_22 = vector.broadcast %mul3A_21 : f32 to vector<320x1536xf32>
    %mul3A_23 = arith.mulf %mul3A_22, %add3A_20 : vector<320x1536xf32>
    %tanh3A = math.tanh %mul3A_23 : vector<320x1536xf32>
    %add3A_24 = arith.constant 1.000000e+00 : f32
    %add3A_25 = vector.broadcast %add3A_24 : f32 to vector<320x1536xf32>
    %add3A_26 = arith.addf %add3A_25, %tanh3A : vector<320x1536xf32>
    %mul3A_27 = arith.constant 5.000000e-01 : f32
    %mul3A_28 = vector.broadcast %mul3A_27 : f32 to vector<320x1536xf32>
    %mul3A_29 = arith.mulf %mul3A_28, %add3A_26 : vector<320x1536xf32>
    %mul3A_30 = arith.mulf %add3A_16, %mul3A_29 : vector<320x1536xf32>
    %get3A_31 = arith.constant 0 : index
    %get3A_32 = arith.constant 0 : index
    %get3A_33 = arith.constant 0 : index
    %get3A_34 = vector.load %arg5[%get3A_31, %get3A_32, %get3A_33] : memref<1x1536x768xf32, #tpu.memory_space<vmem>>, vector<1x1536x768xf32>
    %get3A_35 = vector.shape_cast %get3A_34 : vector<1x1536x768xf32> to vector<1536x768xf32>
    %convert_element_type3A_36 = arith.truncf %mul3A_30 : vector<320x1536xf32> to vector<320x1536xbf16>
    %convert_element_type3A_37 = arith.truncf %get3A_35 : vector<1536x768xf32> to vector<1536x768xbf16>
    %dot_general3A_38 = arith.constant dense<0.000000e+00> : vector<320x768xf32>
    %dot_general3A_39 = tpu.matmul %convert_element_type3A_36, %convert_element_type3A_37, %dot_general3A_38 {dimension_numbers = #tpu.dot_dimension_numbers<[1], [0], [0], [1], [0, 0, 1, 1], [], []>, transpose_lhs_hint = false} : vector<320x1536xbf16>, vector<1536x768xbf16>, vector<320x768xf32> -> vector<320x768xf32>
    %get3A_40 = arith.constant 0 : index
    %get3A_41 = arith.constant 0 : index
    %get3A_42 = arith.constant 0 : index
    %get3A_43 = vector.load %arg6[%get3A_40, %get3A_41, %get3A_42] : memref<1x1x768xf32, #tpu.memory_space<vmem>>, vector<1x1x768xf32>
    %get3A_44 = vector.shape_cast %get3A_43 : vector<1x1x768xf32> to vector<1x768xf32>
    %add3A_45 = vector.broadcast %get3A_44 : vector<1x768xf32> to vector<320x768xf32>
    %add3A_46 = arith.addf %dot_general3A_39, %add3A_45 : vector<320x768xf32>
    %swap3A = arith.constant 0 : index
    %swap3A_47 = arith.constant 0 : index
    %swap3A_48 = arith.constant 0 : index
    %swap3A_49 = vector.load %arg7[%swap3A, %swap3A_47, %swap3A_48] : memref<1x320x768xf32, #tpu.memory_space<vmem>>, vector<1x320x768xf32>
    %swap3A_50 = vector.shape_cast %swap3A_49 : vector<1x320x768xf32> to vector<320x768xf32>
    %swap3A_51 = vector.shape_cast %add3A_46 : vector<320x768xf32> to vector<1x320x768xf32>
    tpu.vector_store %arg7[%swap3A, %swap3A_47, %swap3A_48], %swap3A_51 {strides = array<i32>} : memref<1x320x768xf32, #tpu.memory_space<vmem>>, vector<1x320x768xf32>,
    return
  }
  func.func @transform_0(%arg0: i32, %arg1: i32) -> (i32, i32, i32) {
    %c0_i32 = arith.constant 0 : i32
    %c0_i32_0 = arith.constant 0 : i32
    return %arg0, %arg1, %c0_i32 : i32, i32, i32
  }
  func.func @transform_1(%arg0: i32, %arg1: i32) -> (i32, i32, i32) {
    %c0_i32 = arith.constant 0 : i32
    %c0_i32_0 = arith.constant 0 : i32
    %c0_i32_1 = arith.constant 0 : i32
    return %arg0, %c0_i32, %c0_i32_0 : i32, i32, i32
  }
  func.func @transform_2(%arg0: i32, %arg1: i32) -> (i32, i32, i32) {
    %c0_i32 = arith.constant 0 : i32
    %c0_i32_0 = arith.constant 0 : i32
    %c0_i32_1 = arith.constant 0 : i32
    return %arg0, %c0_i32, %c0_i32_0 : i32, i32, i32
  }
  func.func @transform_3(%arg0: i32, %arg1: i32) -> (i32, i32, i32) {
    %c0_i32 = arith.constant 0 : i32
    %c0_i32_0 = arith.constant 0 : i32
    %c0_i32_1 = arith.constant 0 : i32
    return %arg0, %c0_i32, %c0_i32_0 : i32, i32, i32
  }
  func.func @transform_4(%arg0: i32, %arg1: i32) -> (i32, i32, i32) {
    %c0_i32 = arith.constant 0 : i32
    %c0_i32_0 = arith.constant 0 : i32
    %c0_i32_1 = arith.constant 0 : i32
    return %arg0, %c0_i32, %c0_i32_0 : i32, i32, i32
  }
  func.func @transform_5(%arg0: i32, %arg1: i32) -> (i32, i32, i32) {
    %c0_i32 = arith.constant 0 : i32
    %c0_i32_0 = arith.constant 0 : i32
    return %arg0, %arg1, %c0_i32 : i32, i32, i32
  }
}

module attributes {stable_mosaic.version = 14 : i64} {
  func.func @_gather_body(%arg0: i32, %arg1: memref<2048xi32, #tpu.memory_space<smem>>, %arg2: memref<1x1x768xf32, #tpu.memory_space<vmem>>, %arg3: memref<1x1x768xf32, #tpu.memory_space<vmem>>, %arg4: memref<1x1x768xf32, #tpu.memory_space<vmem>>, %arg5: memref<1x1x768xf32, #tpu.memory_space<vmem>>, %arg6: memref<1x1x768xf32, #tpu.memory_space<vmem>>, %arg7: memref<1x1x768xf32, #tpu.memory_space<vmem>>, %arg8: memref<1x1x768xf32, #tpu.memory_space<vmem>>, %arg9: memref<1x1x768xf32, #tpu.memory_space<vmem>>, %arg10: memref<8x768xf32, #tpu.memory_space<vmem>>) attributes {dimension_semantics = [#tpu.dimension_semantics<arbitrary>], iteration_bounds = array<i64: 256>, scalar_prefetch = 1 : i64, scratch_operands = 0 : i64, tpu.core_type = #tpu.core_type<tc>, window_params = [{transform_indices = @transform_0, window_bounds = array<i64: 1, 1, 768>}, {transform_indices = @transform_1, window_bounds = array<i64: 1, 1, 768>}, {transform_indices = @transform_2, window_bounds = array<i64: 1, 1, 768>}, {transform_indices = @transform_3, window_bounds = array<i64: 1, 1, 768>}, {transform_indices = @transform_4, window_bounds = array<i64: 1, 1, 768>}, {transform_indices = @transform_5, window_bounds = array<i64: 1, 1, 768>}, {transform_indices = @transform_6, window_bounds = array<i64: 1, 1, 768>}, {transform_indices = @transform_7, window_bounds = array<i64: 1, 1, 768>}, {transform_indices = @transform_8, window_bounds = array<i64: 8, 768>}]} {
    %get3A = arith.constant 0 : index
    %get3A_0 = arith.constant 0 : index
    %get3A_1 = arith.constant 0 : index
    %get3A_2 = vector.load %arg2[%get3A, %get3A_0, %get3A_1] : memref<1x1x768xf32, #tpu.memory_space<vmem>>, vector<1x1x768xf32>
    %get3A_3 = vector.shape_cast %get3A_2 : vector<1x1x768xf32> to vector<768xf32>
    %swap3A = arith.constant 0 : index
    %swap3A_4 = arith.constant 0 : index
    %swap3A_5 = vector.load %arg10[%swap3A, %swap3A_4] : memref<8x768xf32, #tpu.memory_space<vmem>>, vector<1x768xf32>
    %swap3A_6 = vector.shape_cast %swap3A_5 : vector<1x768xf32> to vector<768xf32>
    %swap3A_7 = vector.shape_cast %get3A_3 : vector<768xf32> to vector<1x768xf32>
    tpu.vector_store %arg10[%swap3A, %swap3A_4], %swap3A_7 {strides = array<i32>} : memref<8x768xf32, #tpu.memory_space<vmem>>, vector<1x768xf32>,
    %get3A_8 = arith.constant 0 : index
    %get3A_9 = arith.constant 0 : index
    %get3A_10 = arith.constant 0 : index
    %get3A_11 = vector.load %arg3[%get3A_8, %get3A_9, %get3A_10] : memref<1x1x768xf32, #tpu.memory_space<vmem>>, vector<1x1x768xf32>
    %get3A_12 = vector.shape_cast %get3A_11 : vector<1x1x768xf32> to vector<768xf32>
    %swap3A_13 = arith.constant 1 : index
    %swap3A_14 = arith.constant 0 : index
    %swap3A_15 = vector.load %arg10[%swap3A_13, %swap3A_14] : memref<8x768xf32, #tpu.memory_space<vmem>>, vector<1x768xf32>
    %swap3A_16 = vector.shape_cast %swap3A_15 : vector<1x768xf32> to vector<768xf32>
    %swap3A_17 = vector.shape_cast %get3A_12 : vector<768xf32> to vector<1x768xf32>
    tpu.vector_store %arg10[%swap3A_13, %swap3A_14], %swap3A_17 {strides = array<i32>} : memref<8x768xf32, #tpu.memory_space<vmem>>, vector<1x768xf32>,
    %get3A_18 = arith.constant 0 : index
    %get3A_19 = arith.constant 0 : index
    %get3A_20 = arith.constant 0 : index
    %get3A_21 = vector.load %arg4[%get3A_18, %get3A_19, %get3A_20] : memref<1x1x768xf32, #tpu.memory_space<vmem>>, vector<1x1x768xf32>
    %get3A_22 = vector.shape_cast %get3A_21 : vector<1x1x768xf32> to vector<768xf32>
    %swap3A_23 = arith.constant 2 : index
    %swap3A_24 = arith.constant 0 : index
    %swap3A_25 = vector.load %arg10[%swap3A_23, %swap3A_24] : memref<8x768xf32, #tpu.memory_space<vmem>>, vector<1x768xf32>
    %swap3A_26 = vector.shape_cast %swap3A_25 : vector<1x768xf32> to vector<768xf32>
    %swap3A_27 = vector.shape_cast %get3A_22 : vector<768xf32> to vector<1x768xf32>
    tpu.vector_store %arg10[%swap3A_23, %swap3A_24], %swap3A_27 {strides = array<i32>} : memref<8x768xf32, #tpu.memory_space<vmem>>, vector<1x768xf32>,
    %get3A_28 = arith.constant 0 : index
    %get3A_29 = arith.constant 0 : index
    %get3A_30 = arith.constant 0 : index
    %get3A_31 = vector.load %arg5[%get3A_28, %get3A_29, %get3A_30] : memref<1x1x768xf32, #tpu.memory_space<vmem>>, vector<1x1x768xf32>
    %get3A_32 = vector.shape_cast %get3A_31 : vector<1x1x768xf32> to vector<768xf32>
    %swap3A_33 = arith.constant 3 : index
    %swap3A_34 = arith.constant 0 : index
    %swap3A_35 = vector.load %arg10[%swap3A_33, %swap3A_34] : memref<8x768xf32, #tpu.memory_space<vmem>>, vector<1x768xf32>
    %swap3A_36 = vector.shape_cast %swap3A_35 : vector<1x768xf32> to vector<768xf32>
    %swap3A_37 = vector.shape_cast %get3A_32 : vector<768xf32> to vector<1x768xf32>
    tpu.vector_store %arg10[%swap3A_33, %swap3A_34], %swap3A_37 {strides = array<i32>} : memref<8x768xf32, #tpu.memory_space<vmem>>, vector<1x768xf32>,
    %get3A_38 = arith.constant 0 : index
    %get3A_39 = arith.constant 0 : index
    %get3A_40 = arith.constant 0 : index
    %get3A_41 = vector.load %arg6[%get3A_38, %get3A_39, %get3A_40] : memref<1x1x768xf32, #tpu.memory_space<vmem>>, vector<1x1x768xf32>
    %get3A_42 = vector.shape_cast %get3A_41 : vector<1x1x768xf32> to vector<768xf32>
    %swap3A_43 = arith.constant 4 : index
    %swap3A_44 = arith.constant 0 : index
    %swap3A_45 = vector.load %arg10[%swap3A_43, %swap3A_44] : memref<8x768xf32, #tpu.memory_space<vmem>>, vector<1x768xf32>
    %swap3A_46 = vector.shape_cast %swap3A_45 : vector<1x768xf32> to vector<768xf32>
    %swap3A_47 = vector.shape_cast %get3A_42 : vector<768xf32> to vector<1x768xf32>
    tpu.vector_store %arg10[%swap3A_43, %swap3A_44], %swap3A_47 {strides = array<i32>} : memref<8x768xf32, #tpu.memory_space<vmem>>, vector<1x768xf32>,
    %get3A_48 = arith.constant 0 : index
    %get3A_49 = arith.constant 0 : index
    %get3A_50 = arith.constant 0 : index
    %get3A_51 = vector.load %arg7[%get3A_48, %get3A_49, %get3A_50] : memref<1x1x768xf32, #tpu.memory_space<vmem>>, vector<1x1x768xf32>
    %get3A_52 = vector.shape_cast %get3A_51 : vector<1x1x768xf32> to vector<768xf32>
    %swap3A_53 = arith.constant 5 : index
    %swap3A_54 = arith.constant 0 : index
    %swap3A_55 = vector.load %arg10[%swap3A_53, %swap3A_54] : memref<8x768xf32, #tpu.memory_space<vmem>>, vector<1x768xf32>
    %swap3A_56 = vector.shape_cast %swap3A_55 : vector<1x768xf32> to vector<768xf32>
    %swap3A_57 = vector.shape_cast %get3A_52 : vector<768xf32> to vector<1x768xf32>
    tpu.vector_store %arg10[%swap3A_53, %swap3A_54], %swap3A_57 {strides = array<i32>} : memref<8x768xf32, #tpu.memory_space<vmem>>, vector<1x768xf32>,
    %get3A_58 = arith.constant 0 : index
    %get3A_59 = arith.constant 0 : index
    %get3A_60 = arith.constant 0 : index
    %get3A_61 = vector.load %arg8[%get3A_58, %get3A_59, %get3A_60] : memref<1x1x768xf32, #tpu.memory_space<vmem>>, vector<1x1x768xf32>
    %get3A_62 = vector.shape_cast %get3A_61 : vector<1x1x768xf32> to vector<768xf32>
    %swap3A_63 = arith.constant 6 : index
    %swap3A_64 = arith.constant 0 : index
    %swap3A_65 = vector.load %arg10[%swap3A_63, %swap3A_64] : memref<8x768xf32, #tpu.memory_space<vmem>>, vector<1x768xf32>
    %swap3A_66 = vector.shape_cast %swap3A_65 : vector<1x768xf32> to vector<768xf32>
    %swap3A_67 = vector.shape_cast %get3A_62 : vector<768xf32> to vector<1x768xf32>
    tpu.vector_store %arg10[%swap3A_63, %swap3A_64], %swap3A_67 {strides = array<i32>} : memref<8x768xf32, #tpu.memory_space<vmem>>, vector<1x768xf32>,
    %get3A_68 = arith.constant 0 : index
    %get3A_69 = arith.constant 0 : index
    %get3A_70 = arith.constant 0 : index
    %get3A_71 = vector.load %arg9[%get3A_68, %get3A_69, %get3A_70] : memref<1x1x768xf32, #tpu.memory_space<vmem>>, vector<1x1x768xf32>
    %get3A_72 = vector.shape_cast %get3A_71 : vector<1x1x768xf32> to vector<768xf32>
    %swap3A_73 = arith.constant 7 : index
    %swap3A_74 = arith.constant 0 : index
    %swap3A_75 = vector.load %arg10[%swap3A_73, %swap3A_74] : memref<8x768xf32, #tpu.memory_space<vmem>>, vector<1x768xf32>
    %swap3A_76 = vector.shape_cast %swap3A_75 : vector<1x768xf32> to vector<768xf32>
    %swap3A_77 = vector.shape_cast %get3A_72 : vector<768xf32> to vector<1x768xf32>
    tpu.vector_store %arg10[%swap3A_73, %swap3A_74], %swap3A_77 {strides = array<i32>} : memref<8x768xf32, #tpu.memory_space<vmem>>, vector<1x768xf32>,
    return
  }
  func.func @transform_0(%arg0: i32, %arg1: memref<2048xi32, #tpu.memory_space<smem>>) -> (i32, i32, i32) {
    %mul3A = arith.constant 8 : i32
    %mul3A_0 = arith.muli %arg0, %mul3A : i32
    %add3A = arith.constant 0 : i32
    %add3A_1 = arith.addi %mul3A_0, %add3A : i32
    %get3A = arith.index_cast %add3A_1 : i32 to index
    %get3A_2 = memref.load %arg1[%get3A] : memref<2048xi32, #tpu.memory_space<smem>>
    %c0_i32 = arith.constant 0 : i32
    %c0_i32_3 = arith.constant 0 : i32
    %c0_i32_4 = arith.constant 0 : i32
    return %get3A_2, %c0_i32, %c0_i32_3 : i32, i32, i32
  }
  func.func @transform_1(%arg0: i32, %arg1: memref<2048xi32, #tpu.memory_space<smem>>) -> (i32, i32, i32) {
    %mul3A = arith.constant 8 : i32
    %mul3A_0 = arith.muli %arg0, %mul3A : i32
    %add3A = arith.constant 1 : i32
    %add3A_1 = arith.addi %mul3A_0, %add3A : i32
    %get3A = arith.index_cast %add3A_1 : i32 to index
    %get3A_2 = memref.load %arg1[%get3A] : memref<2048xi32, #tpu.memory_space<smem>>
    %c0_i32 = arith.constant 0 : i32
    %c0_i32_3 = arith.constant 0 : i32
    %c0_i32_4 = arith.constant 0 : i32
    return %get3A_2, %c0_i32, %c0_i32_3 : i32, i32, i32
  }
  func.func @transform_2(%arg0: i32, %arg1: memref<2048xi32, #tpu.memory_space<smem>>) -> (i32, i32, i32) {
    %mul3A = arith.constant 8 : i32
    %mul3A_0 = arith.muli %arg0, %mul3A : i32
    %add3A = arith.constant 2 : i32
    %add3A_1 = arith.addi %mul3A_0, %add3A : i32
    %get3A = arith.index_cast %add3A_1 : i32 to index
    %get3A_2 = memref.load %arg1[%get3A] : memref<2048xi32, #tpu.memory_space<smem>>
    %c0_i32 = arith.constant 0 : i32
    %c0_i32_3 = arith.constant 0 : i32
    %c0_i32_4 = arith.constant 0 : i32
    return %get3A_2, %c0_i32, %c0_i32_3 : i32, i32, i32
  }
  func.func @transform_3(%arg0: i32, %arg1: memref<2048xi32, #tpu.memory_space<smem>>) -> (i32, i32, i32) {
    %mul3A = arith.constant 8 : i32
    %mul3A_0 = arith.muli %arg0, %mul3A : i32
    %add3A = arith.constant 3 : i32
    %add3A_1 = arith.addi %mul3A_0, %add3A : i32
    %get3A = arith.index_cast %add3A_1 : i32 to index
    %get3A_2 = memref.load %arg1[%get3A] : memref<2048xi32, #tpu.memory_space<smem>>
    %c0_i32 = arith.constant 0 : i32
    %c0_i32_3 = arith.constant 0 : i32
    %c0_i32_4 = arith.constant 0 : i32
    return %get3A_2, %c0_i32, %c0_i32_3 : i32, i32, i32
  }
  func.func @transform_4(%arg0: i32, %arg1: memref<2048xi32, #tpu.memory_space<smem>>) -> (i32, i32, i32) {
    %mul3A = arith.constant 8 : i32
    %mul3A_0 = arith.muli %arg0, %mul3A : i32
    %add3A = arith.constant 4 : i32
    %add3A_1 = arith.addi %mul3A_0, %add3A : i32
    %get3A = arith.index_cast %add3A_1 : i32 to index
    %get3A_2 = memref.load %arg1[%get3A] : memref<2048xi32, #tpu.memory_space<smem>>
    %c0_i32 = arith.constant 0 : i32
    %c0_i32_3 = arith.constant 0 : i32
    %c0_i32_4 = arith.constant 0 : i32
    return %get3A_2, %c0_i32, %c0_i32_3 : i32, i32, i32
  }
  func.func @transform_5(%arg0: i32, %arg1: memref<2048xi32, #tpu.memory_space<smem>>) -> (i32, i32, i32) {
    %mul3A = arith.constant 8 : i32
    %mul3A_0 = arith.muli %arg0, %mul3A : i32
    %add3A = arith.constant 5 : i32
    %add3A_1 = arith.addi %mul3A_0, %add3A : i32
    %get3A = arith.index_cast %add3A_1 : i32 to index
    %get3A_2 = memref.load %arg1[%get3A] : memref<2048xi32, #tpu.memory_space<smem>>
    %c0_i32 = arith.constant 0 : i32
    %c0_i32_3 = arith.constant 0 : i32
    %c0_i32_4 = arith.constant 0 : i32
    return %get3A_2, %c0_i32, %c0_i32_3 : i32, i32, i32
  }
  func.func @transform_6(%arg0: i32, %arg1: memref<2048xi32, #tpu.memory_space<smem>>) -> (i32, i32, i32) {
    %mul3A = arith.constant 8 : i32
    %mul3A_0 = arith.muli %arg0, %mul3A : i32
    %add3A = arith.constant 6 : i32
    %add3A_1 = arith.addi %mul3A_0, %add3A : i32
    %get3A = arith.index_cast %add3A_1 : i32 to index
    %get3A_2 = memref.load %arg1[%get3A] : memref<2048xi32, #tpu.memory_space<smem>>
    %c0_i32 = arith.constant 0 : i32
    %c0_i32_3 = arith.constant 0 : i32
    %c0_i32_4 = arith.constant 0 : i32
    return %get3A_2, %c0_i32, %c0_i32_3 : i32, i32, i32
  }
  func.func @transform_7(%arg0: i32, %arg1: memref<2048xi32, #tpu.memory_space<smem>>) -> (i32, i32, i32) {
    %mul3A = arith.constant 8 : i32
    %mul3A_0 = arith.muli %arg0, %mul3A : i32
    %add3A = arith.constant 7 : i32
    %add3A_1 = arith.addi %mul3A_0, %add3A : i32
    %get3A = arith.index_cast %add3A_1 : i32 to index
    %get3A_2 = memref.load %arg1[%get3A] : memref<2048xi32, #tpu.memory_space<smem>>
    %c0_i32 = arith.constant 0 : i32
    %c0_i32_3 = arith.constant 0 : i32
    %c0_i32_4 = arith.constant 0 : i32
    return %get3A_2, %c0_i32, %c0_i32_3 : i32, i32, i32
  }
  func.func @transform_8(%arg0: i32, %arg1: memref<2048xi32, #tpu.memory_space<smem>>) -> (i32, i32) {
    %c0_i32 = arith.constant 0 : i32
    %c0_i32_0 = arith.constant 0 : i32
    return %arg0, %c0_i32 : i32, i32
  }
}

module attributes {stable_mosaic.version = 14 : i64} {
  func.func @_combine_body(%arg0: memref<2048x768xf32, #tpu.memory_space<vmem>>, %arg1: memref<2048x768xf32, #tpu.memory_space<vmem>>, %arg2: memref<2048x768xf32, #tpu.memory_space<vmem>>, %arg3: memref<2048x2xf32, #tpu.memory_space<vmem>>, %arg4: memref<2048x768xf32, #tpu.memory_space<vmem>>) attributes {dimension_semantics = [], scalar_prefetch = 0 : i64, scratch_operands = 0 : i64, tpu.core_type = #tpu.core_type<tc>} {
    %get3A = arith.constant 0 : index
    %get3A_0 = arith.constant 0 : index
    %get3A_1 = vector.load %arg3[%get3A, %get3A_0] : memref<2048x2xf32, #tpu.memory_space<vmem>>, vector<2048x2xf32>
    %get3A_2 = arith.constant 0 : index
    %get3A_3 = arith.constant 0 : index
    %get3A_4 = vector.load %arg0[%get3A_2, %get3A_3] : memref<2048x768xf32, #tpu.memory_space<vmem>>, vector<2048x768xf32>
    %get3A_5 = arith.constant 0 : index
    %get3A_6 = arith.constant 0 : index
    %get3A_7 = vector.load %arg1[%get3A_5, %get3A_6] : memref<2048x768xf32, #tpu.memory_space<vmem>>, vector<2048x768xf32>
    %slice3A = vector.extract_strided_slice %get3A_1 {offsets = [0, 0], sizes = [2048, 1], strides = [1, 1]} : vector<2048x2xf32> to vector<2048x1xf32>
    %mul3A = vector.broadcast %slice3A : vector<2048x1xf32> to vector<2048x768xf32>
    %mul3A_8 = arith.mulf %get3A_7, %mul3A : vector<2048x768xf32>
    %get3A_9 = arith.constant 0 : index
    %get3A_10 = arith.constant 0 : index
    %get3A_11 = vector.load %arg2[%get3A_9, %get3A_10] : memref<2048x768xf32, #tpu.memory_space<vmem>>, vector<2048x768xf32>
    %slice3A_12 = vector.extract_strided_slice %get3A_1 {offsets = [0, 1], sizes = [2048, 1], strides = [1, 1]} : vector<2048x2xf32> to vector<2048x1xf32>
    %mul3A_13 = vector.broadcast %slice3A_12 : vector<2048x1xf32> to vector<2048x768xf32>
    %mul3A_14 = arith.mulf %get3A_11, %mul3A_13 : vector<2048x768xf32>
    %add3A = arith.addf %mul3A_8, %mul3A_14 : vector<2048x768xf32>
    %add3A_15 = arith.addf %get3A_4, %add3A : vector<2048x768xf32>
    %swap3A = arith.constant 0 : index
    %swap3A_16 = arith.constant 0 : index
    %swap3A_17 = vector.load %arg4[%swap3A, %swap3A_16] : memref<2048x768xf32, #tpu.memory_space<vmem>>, vector<2048x768xf32>
    tpu.vector_store %arg4[%swap3A, %swap3A_16], %add3A_15 {strides = array<i32>} : memref<2048x768xf32, #tpu.memory_space<vmem>>, vector<2048x768xf32>,
    return
  }
}

module attributes {stable_mosaic.version = 14 : i64} {
  func.func @_qkv_body(%arg0: i32, %arg1: memref<256x768xf32, #tpu.memory_space<vmem>>, %arg2: memref<768x768xf32, #tpu.memory_space<vmem>>, %arg3: memref<768x768xf32, #tpu.memory_space<vmem>>, %arg4: memref<768x768xf32, #tpu.memory_space<vmem>>, %arg5: memref<256x768xf32, #tpu.memory_space<vmem>>, %arg6: memref<256x768xf32, #tpu.memory_space<vmem>>, %arg7: memref<256x768xf32, #tpu.memory_space<vmem>>) attributes {dimension_semantics = [#tpu.dimension_semantics<arbitrary>], iteration_bounds = array<i64: 8>, scalar_prefetch = 0 : i64, scratch_operands = 0 : i64, tpu.core_type = #tpu.core_type<tc>, window_params = [{transform_indices = @transform_0, window_bounds = array<i64: 256, 768>}, {pipeline_mode = #tpu.pipeline_mode<synchronous>, transform_indices = @transform_1, window_bounds = array<i64: 768, 768>}, {pipeline_mode = #tpu.pipeline_mode<synchronous>, transform_indices = @transform_2, window_bounds = array<i64: 768, 768>}, {pipeline_mode = #tpu.pipeline_mode<synchronous>, transform_indices = @transform_3, window_bounds = array<i64: 768, 768>}, {transform_indices = @transform_4, window_bounds = array<i64: 256, 768>}, {transform_indices = @transform_5, window_bounds = array<i64: 256, 768>}, {transform_indices = @transform_6, window_bounds = array<i64: 256, 768>}]} {
    %get3A = arith.constant 0 : index
    %get3A_0 = arith.constant 0 : index
    %get3A_1 = vector.load %arg1[%get3A, %get3A_0] : memref<256x768xf32, #tpu.memory_space<vmem>>, vector<256x768xf32>
    %get3A_2 = arith.constant 0 : index
    %get3A_3 = arith.constant 0 : index
    %get3A_4 = vector.load %arg2[%get3A_2, %get3A_3] : memref<768x768xf32, #tpu.memory_space<vmem>>, vector<768x768xf32>
    %convert_element_type3A = arith.truncf %get3A_1 : vector<256x768xf32> to vector<256x768xbf16>
    %convert_element_type3A_5 = arith.truncf %get3A_4 : vector<768x768xf32> to vector<768x768xbf16>
    %dot_general3A = arith.constant dense<0.000000e+00> : vector<256x768xf32>
    %dot_general3A_6 = tpu.matmul %convert_element_type3A, %convert_element_type3A_5, %dot_general3A {dimension_numbers = #tpu.dot_dimension_numbers<[1], [0], [0], [1], [0, 0, 1, 1], [], []>, transpose_lhs_hint = false} : vector<256x768xbf16>, vector<768x768xbf16>, vector<256x768xf32> -> vector<256x768xf32>
    %swap3A = arith.constant 0 : index
    %swap3A_7 = arith.constant 0 : index
    %swap3A_8 = vector.load %arg5[%swap3A, %swap3A_7] : memref<256x768xf32, #tpu.memory_space<vmem>>, vector<256x768xf32>
    tpu.vector_store %arg5[%swap3A, %swap3A_7], %dot_general3A_6 {strides = array<i32>} : memref<256x768xf32, #tpu.memory_space<vmem>>, vector<256x768xf32>,
    %get3A_9 = arith.constant 0 : index
    %get3A_10 = arith.constant 0 : index
    %get3A_11 = vector.load %arg3[%get3A_9, %get3A_10] : memref<768x768xf32, #tpu.memory_space<vmem>>, vector<768x768xf32>
    %convert_element_type3A_12 = arith.truncf %get3A_1 : vector<256x768xf32> to vector<256x768xbf16>
    %convert_element_type3A_13 = arith.truncf %get3A_11 : vector<768x768xf32> to vector<768x768xbf16>
    %dot_general3A_14 = arith.constant dense<0.000000e+00> : vector<256x768xf32>
    %dot_general3A_15 = tpu.matmul %convert_element_type3A_12, %convert_element_type3A_13, %dot_general3A_14 {dimension_numbers = #tpu.dot_dimension_numbers<[1], [0], [0], [1], [0, 0, 1, 1], [], []>, transpose_lhs_hint = false} : vector<256x768xbf16>, vector<768x768xbf16>, vector<256x768xf32> -> vector<256x768xf32>
    %swap3A_16 = arith.constant 0 : index
    %swap3A_17 = arith.constant 0 : index
    %swap3A_18 = vector.load %arg6[%swap3A_16, %swap3A_17] : memref<256x768xf32, #tpu.memory_space<vmem>>, vector<256x768xf32>
    tpu.vector_store %arg6[%swap3A_16, %swap3A_17], %dot_general3A_15 {strides = array<i32>} : memref<256x768xf32, #tpu.memory_space<vmem>>, vector<256x768xf32>,
    %get3A_19 = arith.constant 0 : index
    %get3A_20 = arith.constant 0 : index
    %get3A_21 = vector.load %arg4[%get3A_19, %get3A_20] : memref<768x768xf32, #tpu.memory_space<vmem>>, vector<768x768xf32>
    %convert_element_type3A_22 = arith.truncf %get3A_1 : vector<256x768xf32> to vector<256x768xbf16>
    %convert_element_type3A_23 = arith.truncf %get3A_21 : vector<768x768xf32> to vector<768x768xbf16>
    %dot_general3A_24 = arith.constant dense<0.000000e+00> : vector<256x768xf32>
    %dot_general3A_25 = tpu.matmul %convert_element_type3A_22, %convert_element_type3A_23, %dot_general3A_24 {dimension_numbers = #tpu.dot_dimension_numbers<[1], [0], [0], [1], [0, 0, 1, 1], [], []>, transpose_lhs_hint = false} : vector<256x768xbf16>, vector<768x768xbf16>, vector<256x768xf32> -> vector<256x768xf32>
    %swap3A_26 = arith.constant 0 : index
    %swap3A_27 = arith.constant 0 : index
    %swap3A_28 = vector.load %arg7[%swap3A_26, %swap3A_27] : memref<256x768xf32, #tpu.memory_space<vmem>>, vector<256x768xf32>
    tpu.vector_store %arg7[%swap3A_26, %swap3A_27], %dot_general3A_25 {strides = array<i32>} : memref<256x768xf32, #tpu.memory_space<vmem>>, vector<256x768xf32>,
    return
  }
  func.func @transform_0(%arg0: i32) -> (i32, i32) {
    %c0_i32 = arith.constant 0 : i32
    %c0_i32_0 = arith.constant 0 : i32
    return %arg0, %c0_i32 : i32, i32
  }
  func.func @transform_1(%arg0: i32) -> (i32, i32) {
    %c0_i32 = arith.constant 0 : i32
    %c0_i32_0 = arith.constant 0 : i32
    %c0_i32_1 = arith.constant 0 : i32
    return %c0_i32, %c0_i32_0 : i32, i32
  }
  func.func @transform_2(%arg0: i32) -> (i32, i32) {
    %c0_i32 = arith.constant 0 : i32
    %c0_i32_0 = arith.constant 0 : i32
    %c0_i32_1 = arith.constant 0 : i32
    return %c0_i32, %c0_i32_0 : i32, i32
  }
  func.func @transform_3(%arg0: i32) -> (i32, i32) {
    %c0_i32 = arith.constant 0 : i32
    %c0_i32_0 = arith.constant 0 : i32
    %c0_i32_1 = arith.constant 0 : i32
    return %c0_i32, %c0_i32_0 : i32, i32
  }
  func.func @transform_4(%arg0: i32) -> (i32, i32) {
    %c0_i32 = arith.constant 0 : i32
    %c0_i32_0 = arith.constant 0 : i32
    return %arg0, %c0_i32 : i32, i32
  }
  func.func @transform_5(%arg0: i32) -> (i32, i32) {
    %c0_i32 = arith.constant 0 : i32
    %c0_i32_0 = arith.constant 0 : i32
    return %arg0, %c0_i32 : i32, i32
  }
  func.func @transform_6(%arg0: i32) -> (i32, i32) {
    %c0_i32 = arith.constant 0 : i32
    %c0_i32_0 = arith.constant 0 : i32
    return %arg0, %c0_i32 : i32, i32
  }
}

module attributes {stable_mosaic.version = 14 : i64} {
  func.func @_scores_body(%arg0: i32, %arg1: i32, %arg2: memref<512x128xf32, #tpu.memory_space<vmem>>, %arg3: memref<2048x128xf32, #tpu.memory_space<vmem>>, %arg4: memref<2x512x2048xf32, #tpu.memory_space<vmem>>) attributes {dimension_semantics = [#tpu.dimension_semantics<arbitrary>, #tpu.dimension_semantics<arbitrary>], iteration_bounds = array<i64: 4, 6>, scalar_prefetch = 0 : i64, scratch_operands = 0 : i64, tpu.core_type = #tpu.core_type<tc>, window_params = [{transform_indices = @transform_0, window_bounds = array<i64: 512, 128>}, {transform_indices = @transform_1, window_bounds = array<i64: 2048, 128>}, {transform_indices = @transform_2, window_bounds = array<i64: 2, 512, 2048>}]} {
    %iota3A = tpu.iota {dimensions = array<i32: 0>} : vector<512x2048xi32>
    %mul3A = arith.constant 512 : i32
    %mul3A_0 = arith.muli %arg0, %mul3A : i32
    %add3A = vector.broadcast %mul3A_0 : i32 to vector<512x2048xi32>
    %add3A_1 = arith.addi %iota3A, %add3A : vector<512x2048xi32>
    %iota3A_2 = tpu.iota {dimensions = array<i32: 1>} : vector<512x2048xi32>
    %ge3A = arith.cmpi sge, %add3A_1, %iota3A_2 : vector<512x2048xi32>
    %get3A = arith.constant 0 : index
    %get3A_3 = arith.constant 0 : index
    %get3A_4 = vector.load %arg2[%get3A, %get3A_3] : memref<512x128xf32, #tpu.memory_space<vmem>>, vector<512x64xf32>
    %get3A_5 = arith.constant 0 : index
    %get3A_6 = arith.constant 0 : index
    %get3A_7 = vector.load %arg3[%get3A_5, %get3A_6] : memref<2048x128xf32, #tpu.memory_space<vmem>>, vector<2048x64xf32>
    %convert_element_type3A = arith.truncf %get3A_4 : vector<512x64xf32> to vector<512x64xbf16>
    %convert_element_type3A_8 = arith.truncf %get3A_7 : vector<2048x64xf32> to vector<2048x64xbf16>
    %dot_general3A = arith.constant dense<0.000000e+00> : vector<512x2048xf32>
    %dot_general3A_9 = tpu.matmul %convert_element_type3A, %convert_element_type3A_8, %dot_general3A {dimension_numbers = #tpu.dot_dimension_numbers<[1], [1], [0], [0], [0, 0, 1, 0], [], []>, transpose_lhs_hint = false} : vector<512x64xbf16>, vector<2048x64xbf16>, vector<512x2048xf32> -> vector<512x2048xf32>
    %div3A = arith.constant 8.000000e+00 : f32
    %div3A_10 = vector.broadcast %div3A : f32 to vector<512x2048xf32>
    %div3A_11 = arith.divf %dot_general3A_9, %div3A_10 : vector<512x2048xf32>
    %jit3A = arith.constant -1.000000e+09 : f32
    %broadcast_in_dim3A = vector.broadcast %jit3A : f32 to vector<512x2048xf32>
    %select_n3A = arith.select %ge3A, %div3A_11, %broadcast_in_dim3A : vector<512x2048xi1>, vector<512x2048xf32>
    %swap3A = arith.constant 0 : index
    %swap3A_12 = arith.constant 0 : index
    %swap3A_13 = arith.constant 0 : index
    %swap3A_14 = vector.load %arg4[%swap3A, %swap3A_12, %swap3A_13] : memref<2x512x2048xf32, #tpu.memory_space<vmem>>, vector<1x512x2048xf32>
    %swap3A_15 = vector.shape_cast %swap3A_14 : vector<1x512x2048xf32> to vector<512x2048xf32>
    %swap3A_16 = vector.shape_cast %select_n3A : vector<512x2048xf32> to vector<1x512x2048xf32>
    tpu.vector_store %arg4[%swap3A, %swap3A_12, %swap3A_13], %swap3A_16 {strides = array<i32>} : memref<2x512x2048xf32, #tpu.memory_space<vmem>>, vector<1x512x2048xf32>,
    %get3A_17 = arith.constant 0 : index
    %get3A_18 = arith.constant 64 : index
    %get3A_19 = vector.load %arg2[%get3A_17, %get3A_18] : memref<512x128xf32, #tpu.memory_space<vmem>>, vector<512x64xf32>
    %get3A_20 = arith.constant 0 : index
    %get3A_21 = arith.constant 64 : index
    %get3A_22 = vector.load %arg3[%get3A_20, %get3A_21] : memref<2048x128xf32, #tpu.memory_space<vmem>>, vector<2048x64xf32>
    %convert_element_type3A_23 = arith.truncf %get3A_19 : vector<512x64xf32> to vector<512x64xbf16>
    %convert_element_type3A_24 = arith.truncf %get3A_22 : vector<2048x64xf32> to vector<2048x64xbf16>
    %dot_general3A_25 = arith.constant dense<0.000000e+00> : vector<512x2048xf32>
    %dot_general3A_26 = tpu.matmul %convert_element_type3A_23, %convert_element_type3A_24, %dot_general3A_25 {dimension_numbers = #tpu.dot_dimension_numbers<[1], [1], [0], [0], [0, 0, 1, 0], [], []>, transpose_lhs_hint = false} : vector<512x64xbf16>, vector<2048x64xbf16>, vector<512x2048xf32> -> vector<512x2048xf32>
    %div3A_27 = arith.constant 8.000000e+00 : f32
    %div3A_28 = vector.broadcast %div3A_27 : f32 to vector<512x2048xf32>
    %div3A_29 = arith.divf %dot_general3A_26, %div3A_28 : vector<512x2048xf32>
    %jit3A_30 = arith.constant -1.000000e+09 : f32
    %broadcast_in_dim3A_31 = vector.broadcast %jit3A_30 : f32 to vector<512x2048xf32>
    %select_n3A_32 = arith.select %ge3A, %div3A_29, %broadcast_in_dim3A_31 : vector<512x2048xi1>, vector<512x2048xf32>
    %swap3A_33 = arith.constant 1 : index
    %swap3A_34 = arith.constant 0 : index
    %swap3A_35 = arith.constant 0 : index
    %swap3A_36 = vector.load %arg4[%swap3A_33, %swap3A_34, %swap3A_35] : memref<2x512x2048xf32, #tpu.memory_space<vmem>>, vector<1x512x2048xf32>
    %swap3A_37 = vector.shape_cast %swap3A_36 : vector<1x512x2048xf32> to vector<512x2048xf32>
    %swap3A_38 = vector.shape_cast %select_n3A_32 : vector<512x2048xf32> to vector<1x512x2048xf32>
    tpu.vector_store %arg4[%swap3A_33, %swap3A_34, %swap3A_35], %swap3A_38 {strides = array<i32>} : memref<2x512x2048xf32, #tpu.memory_space<vmem>>, vector<1x512x2048xf32>,
    return
  }
  func.func @transform_0(%arg0: i32, %arg1: i32) -> (i32, i32) {
    %c0_i32 = arith.constant 0 : i32
    return %arg0, %arg1 : i32, i32
  }
  func.func @transform_1(%arg0: i32, %arg1: i32) -> (i32, i32) {
    %c0_i32 = arith.constant 0 : i32
    %c0_i32_0 = arith.constant 0 : i32
    return %c0_i32, %arg1 : i32, i32
  }
  func.func @transform_2(%arg0: i32, %arg1: i32) -> (i32, i32, i32) {
    %c0_i32 = arith.constant 0 : i32
    %c0_i32_0 = arith.constant 0 : i32
    return %arg1, %arg0, %c0_i32 : i32, i32, i32
  }
}

module attributes {stable_mosaic.version = 14 : i64} {
  func.func @_av_body(%arg0: i32, %arg1: i32, %arg2: memref<2x512x2048xf32, #tpu.memory_space<vmem>>, %arg3: memref<2048x128xf32, #tpu.memory_space<vmem>>, %arg4: memref<128x768xf32, #tpu.memory_space<vmem>>, %arg5: memref<512x768xf32, #tpu.memory_space<vmem>>, %arg6: memref<512x768xf32, #tpu.memory_space<vmem>>) attributes {dimension_semantics = [#tpu.dimension_semantics<arbitrary>, #tpu.dimension_semantics<arbitrary>], iteration_bounds = array<i64: 4, 6>, scalar_prefetch = 0 : i64, scratch_operands = 0 : i64, tpu.core_type = #tpu.core_type<tc>, window_params = [{transform_indices = @transform_0, window_bounds = array<i64: 2, 512, 2048>}, {transform_indices = @transform_1, window_bounds = array<i64: 2048, 128>}, {transform_indices = @transform_2, window_bounds = array<i64: 128, 768>}, {transform_indices = @transform_3, window_bounds = array<i64: 512, 768>}, {transform_indices = @transform_4, window_bounds = array<i64: 512, 768>}]} {
    %broadcast_in_dim3A = arith.constant 0.000000e+00 : f32
    %broadcast_in_dim3A_0 = vector.broadcast %broadcast_in_dim3A : f32 to vector<512x768xf32>
    %get3A = arith.constant 0 : index
    %get3A_1 = arith.constant 0 : index
    %get3A_2 = arith.constant 0 : index
    %get3A_3 = vector.load %arg2[%get3A, %get3A_1, %get3A_2] : memref<2x512x2048xf32, #tpu.memory_space<vmem>>, vector<1x512x2048xf32>
    %get3A_4 = vector.shape_cast %get3A_3 : vector<1x512x2048xf32> to vector<512x2048xf32>
    %get3A_5 = arith.constant 0 : index
    %get3A_6 = arith.constant 0 : index
    %get3A_7 = vector.load %arg3[%get3A_5, %get3A_6] : memref<2048x128xf32, #tpu.memory_space<vmem>>, vector<2048x64xf32>
    %convert_element_type3A = arith.truncf %get3A_4 : vector<512x2048xf32> to vector<512x2048xbf16>
    %convert_element_type3A_8 = arith.truncf %get3A_7 : vector<2048x64xf32> to vector<2048x64xbf16>
    %dot_general3A = arith.constant dense<0.000000e+00> : vector<512x64xf32>
    %dot_general3A_9 = tpu.matmul %convert_element_type3A, %convert_element_type3A_8, %dot_general3A {dimension_numbers = #tpu.dot_dimension_numbers<[1], [0], [0], [1], [0, 0, 1, 1], [], []>, transpose_lhs_hint = false} : vector<512x2048xbf16>, vector<2048x64xbf16>, vector<512x64xf32> -> vector<512x64xf32>
    %get3A_10 = arith.constant 0 : index
    %get3A_11 = arith.constant 0 : index
    %get3A_12 = vector.load %arg4[%get3A_10, %get3A_11] : memref<128x768xf32, #tpu.memory_space<vmem>>, vector<64x768xf32>
    %convert_element_type3A_13 = arith.truncf %dot_general3A_9 : vector<512x64xf32> to vector<512x64xbf16>
    %convert_element_type3A_14 = arith.truncf %get3A_12 : vector<64x768xf32> to vector<64x768xbf16>
    %dot_general3A_15 = arith.constant dense<0.000000e+00> : vector<512x768xf32>
    %dot_general3A_16 = tpu.matmul %convert_element_type3A_13, %convert_element_type3A_14, %dot_general3A_15 {dimension_numbers = #tpu.dot_dimension_numbers<[1], [0], [0], [1], [0, 0, 1, 1], [], []>, transpose_lhs_hint = false} : vector<512x64xbf16>, vector<64x768xbf16>, vector<512x768xf32> -> vector<512x768xf32>
    %add3A = arith.addf %broadcast_in_dim3A_0, %dot_general3A_16 : vector<512x768xf32>
    %get3A_17 = arith.constant 1 : index
    %get3A_18 = arith.constant 0 : index
    %get3A_19 = arith.constant 0 : index
    %get3A_20 = vector.load %arg2[%get3A_17, %get3A_18, %get3A_19] : memref<2x512x2048xf32, #tpu.memory_space<vmem>>, vector<1x512x2048xf32>
    %get3A_21 = vector.shape_cast %get3A_20 : vector<1x512x2048xf32> to vector<512x2048xf32>
    %get3A_22 = arith.constant 0 : index
    %get3A_23 = arith.constant 64 : index
    %get3A_24 = vector.load %arg3[%get3A_22, %get3A_23] : memref<2048x128xf32, #tpu.memory_space<vmem>>, vector<2048x64xf32>
    %convert_element_type3A_25 = arith.truncf %get3A_21 : vector<512x2048xf32> to vector<512x2048xbf16>
    %convert_element_type3A_26 = arith.truncf %get3A_24 : vector<2048x64xf32> to vector<2048x64xbf16>
    %dot_general3A_27 = arith.constant dense<0.000000e+00> : vector<512x64xf32>
    %dot_general3A_28 = tpu.matmul %convert_element_type3A_25, %convert_element_type3A_26, %dot_general3A_27 {dimension_numbers = #tpu.dot_dimension_numbers<[1], [0], [0], [1], [0, 0, 1, 1], [], []>, transpose_lhs_hint = false} : vector<512x2048xbf16>, vector<2048x64xbf16>, vector<512x64xf32> -> vector<512x64xf32>
    %get3A_29 = arith.constant 64 : index
    %get3A_30 = arith.constant 0 : index
    %get3A_31 = vector.load %arg4[%get3A_29, %get3A_30] : memref<128x768xf32, #tpu.memory_space<vmem>>, vector<64x768xf32>
    %convert_element_type3A_32 = arith.truncf %dot_general3A_28 : vector<512x64xf32> to vector<512x64xbf16>
    %convert_element_type3A_33 = arith.truncf %get3A_31 : vector<64x768xf32> to vector<64x768xbf16>
    %dot_general3A_34 = arith.constant dense<0.000000e+00> : vector<512x768xf32>
    %dot_general3A_35 = tpu.matmul %convert_element_type3A_32, %convert_element_type3A_33, %dot_general3A_34 {dimension_numbers = #tpu.dot_dimension_numbers<[1], [0], [0], [1], [0, 0, 1, 1], [], []>, transpose_lhs_hint = false} : vector<512x64xbf16>, vector<64x768xbf16>, vector<512x768xf32> -> vector<512x768xf32>
    %add3A_36 = arith.addf %add3A, %dot_general3A_35 : vector<512x768xf32>
    %eq3A = arith.constant 0 : i32
    %eq3A_37 = arith.cmpi eq, %arg1, %eq3A : i32
    %convert_element_type3A_38 = arith.extui %eq3A_37 : i1 to i32
    %cond3A = arith.constant 0 : i32
    %cond3A_39 = arith.cmpi ne, %convert_element_type3A_38, %cond3A : i32
    scf.if %cond3A_39 {
      %get3A_44 = arith.constant 0 : index
      %get3A_45 = arith.constant 0 : index
      %get3A_46 = vector.load %arg5[%get3A_44, %get3A_45] : memref<512x768xf32, #tpu.memory_space<vmem>>, vector<512x768xf32>
      %add3A_47 = arith.addf %get3A_46, %add3A_36 : vector<512x768xf32>
      %swap3A = arith.constant 0 : index
      %swap3A_48 = arith.constant 0 : index
      %swap3A_49 = vector.load %arg6[%swap3A, %swap3A_48] : memref<512x768xf32, #tpu.memory_space<vmem>>, vector<512x768xf32>
      tpu.vector_store %arg6[%swap3A, %swap3A_48], %add3A_47 {strides = array<i32>} : memref<512x768xf32, #tpu.memory_space<vmem>>, vector<512x768xf32>,
    } else {
    }
    %ne3A = arith.constant 0 : i32
    %ne3A_40 = arith.cmpi ne, %arg1, %ne3A : i32
    %convert_element_type3A_41 = arith.extui %ne3A_40 : i1 to i32
    %cond3A_42 = arith.constant 0 : i32
    %cond3A_43 = arith.cmpi ne, %convert_element_type3A_41, %cond3A_42 : i32
    scf.if %cond3A_43 {
      %get3A_44 = arith.constant 0 : index
      %get3A_45 = arith.constant 0 : index
      %get3A_46 = vector.load %arg6[%get3A_44, %get3A_45] : memref<512x768xf32, #tpu.memory_space<vmem>>, vector<512x768xf32>
      %add3A_47 = arith.addf %get3A_46, %add3A_36 : vector<512x768xf32>
      %swap3A = arith.constant 0 : index
      %swap3A_48 = arith.constant 0 : index
      %swap3A_49 = vector.load %arg6[%swap3A, %swap3A_48] : memref<512x768xf32, #tpu.memory_space<vmem>>, vector<512x768xf32>
      tpu.vector_store %arg6[%swap3A, %swap3A_48], %add3A_47 {strides = array<i32>} : memref<512x768xf32, #tpu.memory_space<vmem>>, vector<512x768xf32>,
    } else {
    }
    return
  }
  func.func @transform_0(%arg0: i32, %arg1: i32) -> (i32, i32, i32) {
    %c0_i32 = arith.constant 0 : i32
    %c0_i32_0 = arith.constant 0 : i32
    return %arg1, %arg0, %c0_i32 : i32, i32, i32
  }
  func.func @transform_1(%arg0: i32, %arg1: i32) -> (i32, i32) {
    %c0_i32 = arith.constant 0 : i32
    %c0_i32_0 = arith.constant 0 : i32
    return %c0_i32, %arg1 : i32, i32
  }
  func.func @transform_2(%arg0: i32, %arg1: i32) -> (i32, i32) {
    %c0_i32 = arith.constant 0 : i32
    %c0_i32_0 = arith.constant 0 : i32
    return %arg1, %c0_i32 : i32, i32
  }
  func.func @transform_3(%arg0: i32, %arg1: i32) -> (i32, i32) {
    %c0_i32 = arith.constant 0 : i32
    %c0_i32_0 = arith.constant 0 : i32
    return %arg0, %c0_i32 : i32, i32
  }
  func.func @transform_4(%arg0: i32, %arg1: i32) -> (i32, i32) {
    %c0_i32 = arith.constant 0 : i32
    %c0_i32_0 = arith.constant 0 : i32
    return %arg0, %c0_i32 : i32, i32
  }
}

module attributes {stable_mosaic.version = 14 : i64} {
  func.func @_lmhead_body(%arg0: i32, %arg1: memref<2048x768xbf16, #tpu.memory_space<vmem>>, %arg2: memref<512x768xbf16, #tpu.memory_space<vmem>>, %arg3: memref<2048x512xf32, #tpu.memory_space<vmem>>) attributes {dimension_semantics = [#tpu.dimension_semantics<arbitrary>], iteration_bounds = array<i64: 99>, scalar_prefetch = 0 : i64, scratch_operands = 0 : i64, tpu.core_type = #tpu.core_type<tc>, window_params = [{pipeline_mode = #tpu.pipeline_mode<synchronous>, transform_indices = @transform_0, window_bounds = array<i64: 2048, 768>}, {transform_indices = @transform_1, window_bounds = array<i64: 512, 768>}, {transform_indices = @transform_2, window_bounds = array<i64: 2048, 512>}]} {
    %get3A = arith.constant 0 : index
    %get3A_0 = arith.constant 0 : index
    %get3A_1 = vector.load %arg1[%get3A, %get3A_0] : memref<2048x768xbf16, #tpu.memory_space<vmem>>, vector<2048x768xbf16>
    %get3A_2 = arith.constant 0 : index
    %get3A_3 = arith.constant 0 : index
    %get3A_4 = vector.load %arg2[%get3A_2, %get3A_3] : memref<512x768xbf16, #tpu.memory_space<vmem>>, vector<512x768xbf16>
    %dot_general3A = arith.constant dense<0.000000e+00> : vector<2048x512xf32>
    %dot_general3A_5 = tpu.matmul %get3A_1, %get3A_4, %dot_general3A {dimension_numbers = #tpu.dot_dimension_numbers<[1], [1], [0], [0], [0, 0, 1, 0], [], []>, transpose_lhs_hint = false} : vector<2048x768xbf16>, vector<512x768xbf16>, vector<2048x512xf32> -> vector<2048x512xf32>
    %swap3A = arith.constant 0 : index
    %swap3A_6 = arith.constant 0 : index
    %swap3A_7 = vector.load %arg3[%swap3A, %swap3A_6] : memref<2048x512xf32, #tpu.memory_space<vmem>>, vector<2048x512xf32>
    tpu.vector_store %arg3[%swap3A, %swap3A_6], %dot_general3A_5 {strides = array<i32>} : memref<2048x512xf32, #tpu.memory_space<vmem>>, vector<2048x512xf32>,
    return
  }
  func.func @transform_0(%arg0: i32) -> (i32, i32) {
    %c0_i32 = arith.constant 0 : i32
    %c0_i32_0 = arith.constant 0 : i32
    %c0_i32_1 = arith.constant 0 : i32
    return %c0_i32, %c0_i32_0 : i32, i32
  }
  func.func @transform_1(%arg0: i32) -> (i32, i32) {
    %c0_i32 = arith.constant 0 : i32
    %c0_i32_0 = arith.constant 0 : i32
    return %arg0, %c0_i32 : i32, i32
  }
  func.func @transform_2(%arg0: i32) -> (i32, i32) {
    %c0_i32 = arith.constant 0 : i32
    %c0_i32_0 = arith.constant 0 : i32
    return %c0_i32, %arg0 : i32, i32
  }
}

</mosaic_0001>

<sc_bundles>
// kernel: sparse-core-data-format-call.cloned.1.call-start
scs
called_computation_lowered:
.L_overlay_start_0:
0x0: {  	s2 =	sld [smem:$0x3FD9]  }
0x1: {  	s3 =	sld [smem:$0x3FFE];
	_ =	sdelay $0x1  }
0x2: {  	s1 =	srdreg.scid  }
0x3: {  	s0 =	sand.u32 $0x1, s1  }
0x4: {  	s18 =	sshll.u32 s0, $0xA;
	s2 =	sadd.s32 s3, s2  }
0x5: {  	s2 =	sadd.s32 s2, s18  }
0x6: {  	[smem:$0x3F87] =	sst s2  }
0x7: {  	_ = 	snop  }
0x8: {  	s2 =	sld [smem:$0x3FD0];
	(tm) =	ssettm $0x1  }
0x9: {  	s19 =	sld [smem:$0x3FFB];
	_ =	sdelay $0x3  }
0xa: {  	_ =	strace s19  }
0xb: {  	s3 =	sld [smem:$0x3FFC];
	_ =	sdelay $0x3  }
0xc: {  	_ =	strace s3  }
0xd: {  	s3 =	sld [smem:$0x3FFD];
	_ =	sdelay $0x3  }
0xe: {  	_ =	strace s3  }
0xf: {  	_ =	strace $0x8FFFFFFF  }
0x10: {  	s20 =	sld [smem:$0x3FDB];
	_ =	sdelay $0x1  }
0x11: {  	s4 =	simm.s32 $_scs_section_size  }
0x12: {  	s5 =	simm.s32 $_size__tile_overlayer_lowered;
	s6 =	simm.s32 $_tile_overlayer_lowered  }
0x13: {  	s23 =	simm.s32 $0x1BFF;
	s22 =	sshll.u32 s6, $0x1;
	s3 =	sadd.s32 s4, s20  }
0x14: {  	s7 =	simm.s32 $0x0;
	s21 =	sshll.u32 s5, $0x1;
	s5 =	sadd.s32 s22, s3  }
0x15: {  	[timem:s7], [sflag:s23] =	dma.local [hbm:s5], s21  }
0x16: {  	_ =	swait.ge [sflag:s23], s21  }
0x17: {  	s4 =	ssub.s32 $0x0, s21;
	[sflag:s23] =	ssyncset.done $0x0  }
0x18: {  	[sflag:s23] =	ssyncadd.s32 s4;
	_ =	sdelay $0x1  }
0x19: {  	s24 =	simm.s32 $0x1B8B  }
0x1a: {  	_ =	swait.ge [sflag:s24], $0x1  }
0x1b: {  	[sflag:s24] =	ssyncset.done $0x0  }
0x1c: {  	s26 =	simm.s32 $0x1B8E;
	s25 =	sld [smem:$0x3FFE];
	[sflag:s24] =	ssyncadd.s32 $0xFFFFFFFF  }
0x1d: {  	s27 =	simm.s32 $execute0_lowered;
	[smem:$0x3FD2] =	sst s26  }
0x1e: {  	s5 =	sshll.u32 s27, $0x1;
	_ =	strace $0x80000046;
	[dreg:$0x1] =	wrdreg $0xFFFFFFFF  }
0x1f: {  	s28 =	simm.s32 $_size_execute0_lowered;
	s3 =	sadd.s32 s3, s5;
	[dreg:$0x0] =	wrdreg $0x0  }
0x20: {  	s5 =	sshll.u32 s28, $0x1;
	[dreg:$0x2] =	wrdreg s3  }
0x21: {  	[dreg:$0x3] =	wrdreg s5  }
0x22: {  	[dreg:$0x4] =	wrdreg $0xC0  }
0x23: {  	_ =	task [dreg:s7], $0x5FFFF  }
0x24: {  	[dreg:$0x1] =	wrdreg $0xFFFFFFFF  }
0x25: {  	[dreg:$0x0] =	wrdreg $0x60  }
0x26: {  	[dreg:$0x2] =	wrdreg s25  }
0x27: {  	[dreg:$0x3] =	wrdreg s2  }
0x28: {  	[dreg:$0x4] =	wrdreg $0x9  }
0x29: {  	_ =	task.clear_ibuf [dreg:s7], $0x5FFFF;
	_ =	strace $0x90000046  }
0x2a: {  	s29 =	simm.s32 $0x9;
	_ =	strace $0x80000048  }
0x2b: {  	_ =	swait.ge [sflag:s29], $0x1  }
0x2c: {  	[sflag:s29] =	ssyncadd.s32 $0xFFFFFFFF  }
0x2d: {  	_ =	strace $0x90000048  }
0x2e: {  	_ =	sfence  }
0x2f: {  	s30 =	sld [smem:$0x0];
	_ =	sdelay $0x2  }
0x30: {  	s31 =	sshll.u32 s1, $0xD;
	s1 =	sshrl.u32 s1, $0x2  }
0x31: {  	s3 =	sand.u32 $0x4000, s31;
	s1 =	sadd.s32 s1, s30  }
0x32: {  	s0 =	sor.u32 s3, s0;
	s1 =	sshll.u32 s1, $0x11  }
0x33: {  	s0 =	sor.u32 s1, s0  }
0x34: {  	s0 =	sadd.s32 $0x8F2B, s0  }
0x35: {  	[sflag:s0] =	ssyncadd.remote.s32 $0x1  }
0x36: {  	_ =	sfence.sel $0xFFFF  }
0x37: {  	[dreg:$0x0] =	wrdreg $0xFFFFFFFF;
	(pc) =	sbr.abs _section_cstart, $3  }
0x38: {  	[dreg:$0x1] =	wrdreg $0xFFFFFFFF  }
0x39: {  	_ =	task.clear_ibuf [dreg:s7], $0x2FFFF;
	_ =	strace $0x9FFFFFFF  }
0x3a: {  	(tm) =	ssettm $0x7FFFFFFF  }
0x3b: {  	_ =	shalt  }
tec
execute0_lowered:
.L_overlay_start_1:
0x0: {  	(tag) =	ssettag $0x1  }
0x1: {  	s0 =	stileid.u32  }
0x2: {  	s2 =	srdreg.scid;
	s7 =	rddreg [dreg:$0x0]  }
0x3: {  	s3 =	rddreg [dreg:$0x1];
	s6 =	simm.s32 $0x1;
	s31 =	simm.s32 $0x2  }
0x4: {  	s16 =	simm.s32 $0x0;
	s9 =	simm.s32 $0x4000;
	s15 =	simm.s32 $0x0  }
0x5: {  	s10 =	simm.s32 $0x0;
	s11 =	simm.s32 $0x0;
	s1 =	sshll.u32 s0, $0x7  }
0x6: {  	s14 =	simm.s32 $0x0;
	s2 =	sshll.u32 s2, $0x7;
	s5 =	ssub.s32 $0x800, s1  }
0x7: {  	s7 =	sadd.s32 $0x24E400, s7;
	s4 =	sand.u32 $0x80, s2;
	s29 =	sand.u32 $0x780, s5  }
0x8: {  	s30 =	ssub.s32 $0xC400, s4;
	s5 =	sshrl.u32 s5, $0xB;
	p0 =	sne.s32 s29, $0x0  }
.Ltmp0:
0x9: {  	s8 =	sshrl.u32 s30, $0x8;
	s6 =	simm.s32 @!p0 $0x0;
	(pc) =	sbr.rel .LBB1_1-.Ltmp0, $4  }
0xa: {  	s2 =	rddreg [dreg:$0x2];
	s8 =	sadd.s32 $0x1, s8;
	s6 =	sadd.s32 s6, s5  }
0xb: {  	_ =	strace $0x80000047;
	s5 =	simm.s32 $0x1;
	s6 =	smul.u32 s8, s6  }
0xc: {  	s13 =	smov.u32 s1;
	s12 =	smov.u32 s4;
	[sflag:s5] =	ssyncpa.u1 $0x0  }
0xd: {  	p0 =	por $0x0, $0x0;
	[sflag:s31] =	ssyncpa.u1 $0x0;
	s8 =	sadd.s32 $0x1, s6  }
.LBB1_4:
0xe: {  	s21 =	sshra.s32 s21, $0x2;
	s26 =	sshll.u32 s10, $0xB  }
0xf: {  	s22 =	sand.u32 $0x78, s11;
	s23 =	sshll.u32 s11, $0x3;
	s25 =	sshll.u32 s10, $0x7  }
0x10: {  	p1 =	sgt.s32 s10, $0xC3E0;
	s29 =	sshra.s32 s10, $0x1F;
	s20 =	sadd.s32 s21, s20  }
0x11: {  	s21 =	sand.u32 $0xFFFFC000, s26;
	s24 =	sand.u32 $0xFFFFFC00, s23;
	s23 =	sand.u32 $0x400, s23  }
0x12: {  	v5 =	vld [tilespmem:s18+$0xFFFFFFD0];
	[tilespmem:s19+$0x2040 ss:$0x81] =	vst.msk $0xffff, v4;
	s27 =	sand.u32 $0x380, s25;
	s30 =	sand.u32 s29, s10;
	s25 =	smov.u32 s11  }
0x13: {  	v58 =	vld [tilespmem:s18+$0xFFFFFFE0];
	[tilespmem:s19+$0x2850 ss:$0x81] =	vst.msk $0xffff, v3;
	s26 =	sshra.s32 s11, $0x1F;
	s21 =	sadd.s32 s24, s21;
	s22 =	sor.u32 s22, s23  }
0x14: {  	v59 =	vld [tilespmem:s18+$0xFFFFFFF0];
	[tilespmem:s19+$0x3060 ss:$0x81] =	vst.msk $0xffff, v2;
	s23 =	smov.u32 s10;
	s31 =	sand.u32 s26, s11;
	s22 =	sor.u32 s27, s22  }
0x15: {  	v60 =	vld [tilespmem:s18+$0x0];
	[tilespmem:s19+$0x0 ss:$0x81] =	vst.msk $0xffff, v1;
	s21 =	sshrl.u32 s21, $0xB;
	s23 =	simm.s32 @!p1 $0xC3E0;
	p1 =	sgt.s32 s11, $0x780  }
0x16: {  	v61 =	vld [tilespmem:s18+$0x10];
	[tilespmem:s20+$0x3870 ss:$0x81] =	vst.msk $0xffff, v0;
	s28 =	smulhi.u32 $0x29B753, s21;
	s19 =	ssub.s32 s23, s30;
	s25 =	simm.s32 @!p1 $0x780  }
0x17: {  	v62 =	vld [tilespmem:s18+$0x20];
	[tilespmem:s20+$0x810 ss:$0x81] =	vst.msk $0xffff, v5;
	s23 =	ssub.s32 s25, s31;
	s26 =	sadd.s32 $0xFFFF3C20, s19;
	s19 =	ssub.s32 $0xC460, s19  }
0x18: {  	v63 =	vld [tilespmem:s18+$0xFFFFFFC0];
	[tilespmem:s20+$0x1020 ss:$0x81] =	vst.msk $0xffff, v58;
	s24 =	sshrl.u32 s28, $0x5;
	p1 =	sgt.s32 s26, $0x7F;
	s28 =	sadd.s32 $0xFFFFF880, s23  }
0x19: {  	[tilespmem:s20+$0x1830 ss:$0x81] =	vst.msk $0xffff, v59;
	s23 =	ssub.s32 $0x800, s23;
	s27 =	smul.u32 $0xC460, s24;
	p2 =	sgt.s32 s28, $0x7F  }
0x1a: {  	s29 =	sshrl.u32 s22, $0x3;
	[tilespmem:s20+$0x2040 ss:$0x81] =	vst.msk $0xffff, v60;
	s19 =	simm.s32 @p1 $0x0;
	s23 =	simm.s32 @p2 $0x0  }
0x1b: {  	s30 =	sand.u32 $0x7, s11;
	[tilespmem:s20+$0x2850 ss:$0x81] =	vst.msk $0xffff, v61;
	s18 =	ssub.s32 s21, s27;
	s19 =	smul.u32 s23, s19  }
0x1c: {  	[tilespmem:s20+$0x3060 ss:$0x81] =	vst.msk $0xffff, v62;
	s22 =	sshll.u32 s30, $0x12;
	s21 =	sadd.s32 s3, s29;
	s18 =	sshll.u32 s18, $0x8  }
0x1d: {  	[tilespmem:s20+$0x0 ss:$0x81] =	vst.msk $0xffff, v63;
	s31 =	sor.u32 $0x400, s22;
	s19 =	sand.u32 $0x3FFFFFFF, s19;
	s18 =	sadd.s32 s18, s21  }
0x1e: {  	[hbm4b:s18+s31] =	stream.strided.scatter [tilespmem:s17], [sflag:$0x2], s19, s9, s31, $0x20;
	[tilespmem:$0x10100] =	vst v63  }
.LBB1_5:
0x1f: {  	p1 =	slt.u32 s14, $0x2  }
0x20: {  	s18 =	smov.u32 s16;
	p2 =	sgt.s32 @!p1 s16, $0xC3E0;
	s17 =	sshra.s32 @!p1 s16, $0x1F  }
0x21: {  	p3 =	sgt.s32 @!p1 s15, $0x780;
	s19 =	sshra.s32 @!p1 s15, $0x1F;
	p2 =	por !p2, p1  }
0x22: {  	s16 =	sand.u32 @!p1 s17, s16;
	p3 =	por !p3, p1;
	s17 =	smov.u32 s15  }
0x23: {  	s15 =	sand.u32 @!p1 s19, s15;
	s18 =	simm.s32 @p2 $0xC3E0;
	s17 =	simm.s32 @p3 $0x780  }
0x24: {  	s16 =	ssub.s32 @!p1 s18, s16;
	s15 =	ssub.s32 @!p1 s17, s15  }
0x25: {  	s19 =	smov.u32 s13;
	s17 =	sadd.s32 @!p1 $0xFFFF3C20, s16;
	s18 =	sadd.s32 @!p1 $0xFFFFF880, s15  }
0x26: {  	s16 =	ssub.s32 @!p1 $0xC460, s16;
	p2 =	sgt.s32 @!p1 s17, $0x7F;
	p3 =	sgt.s32 @!p1 s18, $0x7F  }
0x27: {  	s15 =	ssub.s32 @!p1 $0x800, s15;
	p2 =	por !p2, p1;
	p3 =	por !p3, p1  }
0x28: {  	s17 =	sadd.s32 $0x100, s12;
	s16 =	simm.s32 @!p2 $0x0;
	s15 =	simm.s32 @!p3 $0x0  }
0x29: {  	p2 =	sgt.s32 s17, $0xC45F;
	s15 =	smul.u32 @!p1 s15, s16;
	s16 =	sadd.s32 $0x800, s13  }
0x2a: {  	s19 =	smov.u32 @p2 s16  }
0x2b: {  	s17 =	smov.u32 @p2 s4;
	p2 =	sgt.s32 s19, $0x7FF  }
0x2c: {  	s19 =	smov.u32 @p2 s1;
	p2 =	sne.s32 s14, s8  }
.Ltmp1:
0x2d: {  	p0 =	por !p0, !p0;
	s18 =	simm.s32 @!p1 $0x2;
	(pc) =	sbr.rel @!p2 .LBB1_6-.Ltmp1, $4  }
0x2e: {  	s16 =	smov.u32 s10;
	s10 =	smov.u32 s12;
	s15 =	sand.u32 @!p1 $0x3FFFFFFF, s15  }
0x2f: {  	s12 =	smov.u32 s17;
	_ =	swait.ge @!p1 [sflag:s18], s15;
	s20 =	ssub.s32 @!p1 $0x0, s15  }
0x30: {  	s15 =	smov.u32 s11;
	s14 =	sadd.s32 $0x1, s14;
	[sflag:s18] =	ssyncset.done @!p1 $0x0  }
0x31: {  	s11 =	smov.u32 s13;
	s13 =	smov.u32 s19;
	[sflag:s18] =	ssyncadd.s32 @!p1 s20  }
.LBB1_1:
0x32: {  	p1 =	sge.u32 s14, s6  }
0x33: {  	s17 =	sshrl.u32 @!p1 s13, $0x3  }
0x34: {  	s18 =	sshll.u32 @!p1 s12, $0x3;
	s17 =	smul.u32 @!p1 $0x62400, s17  }
0x35: {  	s19 =	sshll.u32 @!p1 s13, $0x7;
	s18 =	sand.u32 @!p1 $0xFFFFFC00, s18  }
0x36: {  	s17 =	sadd.s32 @!p1 s17, s18;
	s18 =	sand.u32 @!p1 $0x380, s19  }
0x37: {  	s19 =	sand.u32 @!p1 $0x7F, s12;
	s17 =	sor.u32 @!p1 s18, s17  }
0x38: {  	s18 =	sor.u32 @!p1 s19, s17  }
0x39: {  	s19 =	smulhi.u32 @!p1 $0xA6C21DF7, s18;
	_ =	sdelay $0x1  }
0x3a: {  	s17 =	smulhi.u32 @!p1 $0xA6C21DF7, s17;
	s19 =	sshrl.u32 @!p1 s19, $0xF  }
0x3b: {  	s19 =	smul.u32 @!p1 $0xC480, s19  }
0x3c: {  	s31 =	sadd.s32 $0xFFFFFFFF, s14;
	s20 =	sxor.u32 @!p1 $0xFFFFFFFF, s14;
	s17 =	sshrl.u32 @!p1 s17, $0xF  }
0x3d: {  	s20 =	sshll.u32 @!p1 s20, $0xE;
	s17 =	sand.u32 @!p1 $0x7FF, s17;
	s18 =	ssub.s32 @!p1 s18, s19  }
0x3e: {  	s17 =	smul.u32 @!p1 $0x1890, s17;
	s19 =	sshrl.u32 @!p1 s18, $0x3;
	s18 =	sand.u32 @!p1 $0x7, s18  }
0x3f: {  	s20 =	sand.u32 @!p1 $0x4000, s20;
	s19 =	sadd.s32 @!p1 s7, s19;
	s18 =	sshll.u32 @!p1 s18, $0x12  }
0x40: {  	s17 =	sadd.s32 @!p1 s17, s19;
	s18 =	sor.u32 @!p1 $0x400, s18;
	s19 =	simm.s32 @!p1 $0x62400  }
0x41: {  	[tilespmem:s20], [sflag:$0x1] =	stream.strided.gather @!p1 [hbm4b:s17+s18], $0x4000, s19, s18, $0x38;
	[tilespmem:$0x10100] =	vst v63  }
0x42: {  	p1 =	sge.u32 s31, s6  }
.Ltmp2:
0x43: {  	_ = 	snop;
	(pc) =	sbr.rel @p1 .LBB1_5-.Ltmp2, $1  }
0x44: {  	_ =	sdelay $0x3  }
0x45: {  	s17 =	simm.s32 $0x1  }
0x46: {  	_ =	swait.ge [sflag:s5], $0x4000;
	s17 =	simm.s32 @!p0 $0x0  }
0x47: {  	[sflag:s5] =	ssyncset.done $0x0;
	s18 =	sshll.u32 s17, $0xE  }
0x48: {  	[sflag:s5] =	ssyncadd.s32 $0xFFFFC000;
	s18 =	sor.u32 $0x40, s18  }
0x49: {  	s17 =	smul.u32 $0x10200, s17;
	v0 =	vld [tilespmem:s18+$0x30]  }
0x4a: {  	v1 =	vld [tilespmem:s18+$0xFFFFFFD0]  }
0x4b: {  	s17 =	sshrl.u32 s17, $0x2;
	v5 =	vld [tilespmem:s18+$0xFFFFFFE0]  }
0x4c: {  	v6 =	vld [tilespmem:s18+$0xFFFFFFF0];
	s20 =	sor.u32 $0x8000, s17  }
0x4d: {  	s31 =	sand.u32 $0x1, s14;
	v4 =	vld [tilespmem:s18+$0x0];
	s19 =	sadd.s32 $0x0, s20  }
0x4e: {  	v3 =	vld [tilespmem:s18+$0x10];
	s17 =	smul.u32 $0x10200, s31;
	[tilespmem:s19+$0x3870 ss:$0x81] =	vst.msk $0xffff, v0  }
0x4f: {  	v2 =	vld [tilespmem:s18+$0x20];
	[tilespmem:s19+$0x810 ss:$0x81] =	vst.msk $0xffff, v1  }
0x50: {  	s17 =	sshrl.u32 s17, $0x2;
	v1 =	vld [tilespmem:s18+$0xFFFFFFC0];
	[tilespmem:s19+$0x1020 ss:$0x81] =	vst.msk $0xffff, v5;
	s18 =	sadd.s32 $0x80, s18  }
0x51: {  	s21 =	simm.s32 $0x4;
	s22 =	simm.s32 $0x8;
	s17 =	sor.u32 $0x8000, s17;
	[tilespmem:s19+$0x1830 ss:$0x81] =	vst.msk $0xffff, v6;
	v0 =	vld [tilespmem:s18+$0x30]  }
.LBB1_3:
0x52: {  	p1 =	sne.s32 s22, $0x1FC;
	v5 =	vld [tilespmem:s18+$0xFFFFFFD0];
	[tilespmem:s19+$0x2040 ss:$0x81] =	vst.msk $0xffff, v4  }
0x53: {  	v6 =	vld [tilespmem:s18+$0xFFFFFFE0];
	[tilespmem:s19+$0x2850 ss:$0x81] =	vst.msk $0xffff, v3  }
0x54: {  	s23 =	sshra.s32 s21, $0x2;
	s21 =	smov.u32 s22;
	v7 =	vld [tilespmem:s18+$0xFFFFFFF0];
	[tilespmem:s19+$0x3060 ss:$0x81] =	vst.msk $0xffff, v2  }
.Ltmp3:
0x55: {  	v4 =	vld [tilespmem:s18+$0x0];
	[tilespmem:s19+$0x0 ss:$0x81] =	vst.msk $0xffff, v1;
	s19 =	sadd.s32 s23, s20;
	(pc) =	sbr.rel @p1 .LBB1_3-.Ltmp3, $4  }
0x56: {  	v3 =	vld [tilespmem:s18+$0x10];
	[tilespmem:s19+$0x3870 ss:$0x81] =	vst.msk $0xffff, v0  }
0x57: {  	[tilespmem:s19+$0x810 ss:$0x81] =	vst.msk $0xffff, v5;
	v2 =	vld [tilespmem:s18+$0x20]  }
0x58: {  	v1 =	vld [tilespmem:s18+$0xFFFFFFC0];
	[tilespmem:s19+$0x1020 ss:$0x81] =	vst.msk $0xffff, v6;
	s18 =	sadd.s32 $0x80, s18  }
0x59: {  	s22 =	sadd.s32 $0x4, s22;
	v0 =	vld [tilespmem:s18+$0x30];
	[tilespmem:s19+$0x1830 ss:$0x81] =	vst.msk $0xffff, v7  }
.Ltmp4:
0x5a: {  	_ = 	snop;
	(pc) =	sbr.rel .LBB1_4-.Ltmp4, $1  }
0x5b: {  	_ =	sdelay $0x3  }
.LBB1_6:
0x5c: {  	_ =	sfence.sel $0x180000  }
0x5d: {  	s1 =	simm.s32 $0x1;
	[bflag:$0x0] =	sbarrier.arrive $0xFFFF  }
0x5e: {  	s31 =	simm.s32 $0x2;
	[sflag:s1] =	ssyncpa.u1 $0x1  }
0x5f: {  	[sflag:s31] =	ssyncpa.u1 $0x1  }
0x60: {  	p0 =	sne.s32 s0, $0x0;
	_ =	strace $0x90000047  }
0x61: {  	s0 =	sadd.s32 @!p0 $0x100000, s2;
	[bflag:$0x2] =	sbarrier.arrive $0xFFFF  }
0x62: {  	[sflag:s0] =	ssyncadd.tile.s32 @!p0 $0x1;
	_ =	shalt  }
.Lfunc_end1:
_tile_overlayer_lowered:
.L_overlay_start_2:
0x63: {  	(tag) =	ssettag $0x2  }
0x64: {  	s0 =	rddreg [dreg:$0x0];
	s2 =	stileid.u32  }
0x65: {  	s1 =	rddreg [dreg:$0x1];
	p0 =	sne.s32 s2, $0x0  }
0x66: {  	s3 =	rddreg [dreg:$0x2];
	[bflag:$0x3] =	sbarrier.arrive $0xFFFF;
	s2 =	simm.s32 @!p0 $0x1C01  }
0x67: {  	[timem:s3], [sflag:s2] =	dma.local @!p0 [hbm:s0], s1  }
0x68: {  	s0 =	simm.s32 @!p0 $0x1  }
0x69: {  	_ =	swait.ge @!p0 [sflag:s0], s1  }
0x6a: {  	s1 =	ssub.s32 @!p0 $0x0, s1;
	[sflag:s0] =	ssyncset.done @!p0 $0x0  }
0x6b: {  	[sflag:s0] =	ssyncadd.s32 @!p0 s1  }
0x6c: {  	[bflag:$0x3] =	sbarrier.arrive $0xFFFF  }
0x6d: {  	_ =	shalt  }

</sc_bundles>
